<compile_context>
chip_gen: v7x
topology: tpu7x:2x2x1
jax: 0.10.2.dev20260603
libtpu: 0.0.44.dev20260713+nightly
codegen_flags: <defaults>
</compile_context>

<pallas_src>
import functools

import jax
import jax.numpy as jnp
from jax import lax
from jax.experimental import pallas as pl
from jax.experimental.pallas import tpu as pltpu
from jax.experimental.pallas import tpu_sc as plsc

_NUM_CORES = 2
_NUM_SUBCORES = 16
_NUM_WORKERS = _NUM_CORES * _NUM_SUBCORES


@functools.lru_cache(maxsize=None)
def _make_embed(batch, ctx, dim, blk):
    mesh = plsc.VectorSubcoreMesh(
        core_axis_name="c",
        subcore_axis_name="s",
        num_cores=_NUM_CORES,
        num_subcores=_NUM_SUBCORES,
    )

    @functools.partial(
        pl.kernel,
        out_type=jax.ShapeDtypeStruct((batch, ctx, dim), jnp.float32),
        mesh=mesh,
        scratch_types=[
            pltpu.VMEM((batch, blk), jnp.int32),
            pltpu.VMEM_SHARED((_NUM_SUBCORES * blk, dim), jnp.float32),
            pltpu.VMEM((batch, blk, dim), jnp.float32),
            pltpu.SemaphoreType.DMA,
            pltpu.SemaphoreType.DMA,
            pltpu.SemaphoreType.DMA((batch,)),
            pltpu.SemaphoreType.DMA((batch,)),
            pltpu.SemaphoreType.DMA((batch,)),
        ],
    )
    def body(tok_hbm, table_hbm, pos_hbm, out_hbm, idx_v, spos, acc_v,
             s_idx, s_pos, s_rep, s_g, s_o):
        sid = lax.axis_index("s")
        wid = sid * _NUM_CORES + lax.axis_index("c")
        col0 = wid * blk
        my_spos = spos.at[pl.ds(sid * blk, blk)]

        idx_cp = [
            pltpu.async_copy(
                tok_hbm.at[b, pl.ds(col0, blk)], idx_v.at[b], s_idx)
            for b in range(batch)
        ]
        pos_cp = pltpu.async_copy(
            pos_hbm.at[pl.ds(col0, blk)], my_spos, s_pos)
        pos_cp.wait()
        rep_cp = [
            pltpu.async_copy(my_spos, acc_v.at[b], s_rep.at[b])
            for b in range(batch)
        ]
        for c in idx_cp:
            c.wait()
        g_cp = []
        for b in range(batch):
            rep_cp[b].wait()
            g_cp.append(pltpu.async_copy(
                table_hbm.at[idx_v.at[b]],
                acc_v.at[b], s_g.at[b], add=True))
        for c in g_cp:
            c.wait()
        pltpu.async_copy(
            acc_v, out_hbm.at[:, pl.ds(col0, blk)], s_o.at[0]).wait()

    return body


def kernel(token_ids, word_embeddings, pos_embeddings):
    batch, ctx = token_ids.shape
    _, dim = word_embeddings.shape
    blk = ctx // _NUM_WORKERS
    fn = _make_embed(batch, ctx, dim, blk)
    return fn(token_ids.astype(jnp.int32),
              word_embeddings.astype(jnp.float32),
              pos_embeddings.astype(jnp.float32))

# --- scband reference (transcript-rebuilt; emitter-appended) ---
"""Pipeline reference for scband-input-embedding-12463995093293 (READ-ONLY COPY).

The authoritative reference and input builder live on the scoring server;
editing this copy changes nothing except your own understanding.
"""

import jax, jax.numpy as jnp
import numpy as np

VOCAB = 100000
CTX = 2048
DIM = 128
BATCH = 4

def setup_inputs(seed: int = 0) -> dict:
    key = jax.random.key(seed)
    k1, k2, k3 = jax.random.split(key, 3)
    token_ids = jax.random.randint(k1, (BATCH, CTX), 0, VOCAB, dtype=jnp.int64 if jax.config.jax_enable_x64 else jnp.int32)
    word_embeddings = jax.random.normal(k2, (VOCAB, DIM), dtype=jnp.float32) * 0.02
    pos_embeddings = jax.random.normal(k3, (CTX, DIM), dtype=jnp.float32) * 0.02
    return {"token_ids": token_ids, "word_embeddings": word_embeddings, "pos_embeddings": pos_embeddings}

def reference(token_ids, word_embeddings, pos_embeddings):
    # token embedding: gather rows of the word table
    token_embedding = jnp.take(word_embeddings, token_ids, axis=0)  # [B, CTX, DIM]
    # positional embedding: gather rows 0..CTX-1 of the positional table
    pos_indices = jnp.arange(CTX)
    pos_embedding = jnp.take(pos_embeddings, pos_indices, axis=0)  # [CTX, DIM]
    final_embedding = token_embedding + pos_embedding[None, :, :]
    return final_embedding

if __name__ == "__main__":
    import jax
    _d = setup_inputs()
    print(jax.jit(kernel)(*tuple(_d.values())))

</pallas_src>

<mosaic_0001>
#map = affine_map<(d0, d1) -> (0, 0)>
#map1 = affine_map<(d0, d1) -> (0, 0, 0)>
module attributes {stable_mosaic.version = 14 : i64} {
  func.func @body(%arg0: i32, %arg1: i32, %arg2: memref<4x2048xi32, #tpu.memory_space<hbm>>, %arg3: memref<100000x128xf32, #tpu.memory_space<hbm>>, %arg4: memref<2048x128xf32, #tpu.memory_space<hbm>>, %arg5: memref<4x2048x128xf32, #tpu.memory_space<hbm>>, %arg6: memref<4x64xi32, #tpu.memory_space<vmem>>, %arg7: memref<1024x128xf32, #tpu.memory_space<vmem_shared>>, %arg8: memref<4x64x128xf32, #tpu.memory_space<vmem>>, %arg9: memref<!tpu.dma_semaphore, #tpu.memory_space<semaphore_mem>>, %arg10: memref<!tpu.dma_semaphore, #tpu.memory_space<semaphore_mem>>, %arg11: memref<4x!tpu.dma_semaphore, #tpu.memory_space<semaphore_mem>>, %arg12: memref<4x!tpu.dma_semaphore, #tpu.memory_space<semaphore_mem>>, %arg13: memref<4x!tpu.dma_semaphore, #tpu.memory_space<semaphore_mem>>) attributes {dimension_semantics = [#tpu.dimension_semantics<core_parallel>, #tpu.dimension_semantics<subcore_parallel>], iteration_bounds = array<i64: 2, 16>, scalar_prefetch = 0 : i64, scratch_operands = 8 : i64, tpu.core_type = #tpu.core_type<sc_vector_subcore>, window_params = [{transform_indices = #map}, {transform_indices = #map}, {transform_indices = #map}, {transform_indices = #map1}]} {
    %mul3A = arith.constant 2 : i32
    %mul3A_0 = arith.muli %arg1, %mul3A : i32
    %add3A = arith.addi %mul3A_0, %arg0 : i32
    %mul3A_1 = arith.constant 64 : i32
    %mul3A_2 = arith.muli %add3A, %mul3A_1 : i32
    %mul3A_3 = arith.constant 64 : i32
    %mul3A_4 = arith.muli %arg1, %mul3A_3 : i32
    %dma_start3A = arith.constant 0 : i32
    %dma_start3A_5 = arith.constant 0 : i32
    %dma_start3A_6 = arith.constant 0 : i32
    %dma_start3A_7 = tpu.memref_slice %arg6[%dma_start3A_5, %dma_start3A_6] : memref<4x64xi32, #tpu.memory_space<vmem>> -> memref<1x64xi32, #tpu.memory_space<vmem>>
    %dma_start3A_8 = tpu.memref_squeeze %dma_start3A_7 : memref<1x64xi32, #tpu.memory_space<vmem>> -> memref<64xi32, #tpu.memory_space<vmem>>
    %dma_start3A_9 = tpu.memref_slice %arg2[%dma_start3A, %mul3A_2] : memref<4x2048xi32, #tpu.memory_space<hbm>> -> memref<1x64xi32, #tpu.memory_space<hbm>>
    %dma_start3A_10 = tpu.memref_squeeze %dma_start3A_9 : memref<1x64xi32, #tpu.memory_space<hbm>> -> memref<64xi32, #tpu.memory_space<hbm>>
    %dma_start3A_11 = arith.constant 0 : i32
    %dma_start3A_12 = tpu.memref_slice %arg6[%dma_start3A_5, %dma_start3A_11] : memref<4x64xi32, #tpu.memory_space<vmem>> -> memref<1x64xi32, #tpu.memory_space<vmem>>
    %dma_start3A_13 = tpu.memref_squeeze %dma_start3A_12 : memref<1x64xi32, #tpu.memory_space<vmem>> -> memref<64xi32, #tpu.memory_space<vmem>>
    %dma_start3A_14 = tpu.memref_slice %arg2[%dma_start3A, %mul3A_2] : memref<4x2048xi32, #tpu.memory_space<hbm>> -> memref<1x64xi32, #tpu.memory_space<hbm>>
    %dma_start3A_15 = tpu.memref_squeeze %dma_start3A_14 : memref<1x64xi32, #tpu.memory_space<hbm>> -> memref<64xi32, #tpu.memory_space<hbm>>
    tpu.enqueue_dma source(%dma_start3A_15 : memref<64xi32, #tpu.memory_space<hbm>>) target(%dma_start3A_13 : memref<64xi32, #tpu.memory_space<vmem>>) target_semaphore(%arg9 : memref<!tpu.dma_semaphore, #tpu.memory_space<semaphore_mem>>)
    %dma_start3A_16 = arith.constant 1 : i32
    %dma_start3A_17 = arith.constant 1 : i32
    %dma_start3A_18 = arith.constant 0 : i32
    %dma_start3A_19 = tpu.memref_slice %arg6[%dma_start3A_17, %dma_start3A_18] : memref<4x64xi32, #tpu.memory_space<vmem>> -> memref<1x64xi32, #tpu.memory_space<vmem>>
    %dma_start3A_20 = tpu.memref_squeeze %dma_start3A_19 : memref<1x64xi32, #tpu.memory_space<vmem>> -> memref<64xi32, #tpu.memory_space<vmem>>
    %dma_start3A_21 = tpu.memref_slice %arg2[%dma_start3A_16, %mul3A_2] : memref<4x2048xi32, #tpu.memory_space<hbm>> -> memref<1x64xi32, #tpu.memory_space<hbm>>
    %dma_start3A_22 = tpu.memref_squeeze %dma_start3A_21 : memref<1x64xi32, #tpu.memory_space<hbm>> -> memref<64xi32, #tpu.memory_space<hbm>>
    %dma_start3A_23 = arith.constant 0 : i32
    %dma_start3A_24 = tpu.memref_slice %arg6[%dma_start3A_17, %dma_start3A_23] : memref<4x64xi32, #tpu.memory_space<vmem>> -> memref<1x64xi32, #tpu.memory_space<vmem>>
    %dma_start3A_25 = tpu.memref_squeeze %dma_start3A_24 : memref<1x64xi32, #tpu.memory_space<vmem>> -> memref<64xi32, #tpu.memory_space<vmem>>
    %dma_start3A_26 = tpu.memref_slice %arg2[%dma_start3A_16, %mul3A_2] : memref<4x2048xi32, #tpu.memory_space<hbm>> -> memref<1x64xi32, #tpu.memory_space<hbm>>
    %dma_start3A_27 = tpu.memref_squeeze %dma_start3A_26 : memref<1x64xi32, #tpu.memory_space<hbm>> -> memref<64xi32, #tpu.memory_space<hbm>>
    tpu.enqueue_dma source(%dma_start3A_27 : memref<64xi32, #tpu.memory_space<hbm>>) target(%dma_start3A_25 : memref<64xi32, #tpu.memory_space<vmem>>) target_semaphore(%arg9 : memref<!tpu.dma_semaphore, #tpu.memory_space<semaphore_mem>>)
    %dma_start3A_28 = arith.constant 2 : i32
    %dma_start3A_29 = arith.constant 2 : i32
    %dma_start3A_30 = arith.constant 0 : i32
    %dma_start3A_31 = tpu.memref_slice %arg6[%dma_start3A_29, %dma_start3A_30] : memref<4x64xi32, #tpu.memory_space<vmem>> -> memref<1x64xi32, #tpu.memory_space<vmem>>
    %dma_start3A_32 = tpu.memref_squeeze %dma_start3A_31 : memref<1x64xi32, #tpu.memory_space<vmem>> -> memref<64xi32, #tpu.memory_space<vmem>>
    %dma_start3A_33 = tpu.memref_slice %arg2[%dma_start3A_28, %mul3A_2] : memref<4x2048xi32, #tpu.memory_space<hbm>> -> memref<1x64xi32, #tpu.memory_space<hbm>>
    %dma_start3A_34 = tpu.memref_squeeze %dma_start3A_33 : memref<1x64xi32, #tpu.memory_space<hbm>> -> memref<64xi32, #tpu.memory_space<hbm>>
    %dma_start3A_35 = arith.constant 0 : i32
    %dma_start3A_36 = tpu.memref_slice %arg6[%dma_start3A_29, %dma_start3A_35] : memref<4x64xi32, #tpu.memory_space<vmem>> -> memref<1x64xi32, #tpu.memory_space<vmem>>
    %dma_start3A_37 = tpu.memref_squeeze %dma_start3A_36 : memref<1x64xi32, #tpu.memory_space<vmem>> -> memref<64xi32, #tpu.memory_space<vmem>>
    %dma_start3A_38 = tpu.memref_slice %arg2[%dma_start3A_28, %mul3A_2] : memref<4x2048xi32, #tpu.memory_space<hbm>> -> memref<1x64xi32, #tpu.memory_space<hbm>>
    %dma_start3A_39 = tpu.memref_squeeze %dma_start3A_38 : memref<1x64xi32, #tpu.memory_space<hbm>> -> memref<64xi32, #tpu.memory_space<hbm>>
    tpu.enqueue_dma source(%dma_start3A_39 : memref<64xi32, #tpu.memory_space<hbm>>) target(%dma_start3A_37 : memref<64xi32, #tpu.memory_space<vmem>>) target_semaphore(%arg9 : memref<!tpu.dma_semaphore, #tpu.memory_space<semaphore_mem>>)
    %dma_start3A_40 = arith.constant 3 : i32
    %dma_start3A_41 = arith.constant 3 : i32
    %dma_start3A_42 = arith.constant 0 : i32
    %dma_start3A_43 = tpu.memref_slice %arg6[%dma_start3A_41, %dma_start3A_42] : memref<4x64xi32, #tpu.memory_space<vmem>> -> memref<1x64xi32, #tpu.memory_space<vmem>>
    %dma_start3A_44 = tpu.memref_squeeze %dma_start3A_43 : memref<1x64xi32, #tpu.memory_space<vmem>> -> memref<64xi32, #tpu.memory_space<vmem>>
    %dma_start3A_45 = tpu.memref_slice %arg2[%dma_start3A_40, %mul3A_2] : memref<4x2048xi32, #tpu.memory_space<hbm>> -> memref<1x64xi32, #tpu.memory_space<hbm>>
    %dma_start3A_46 = tpu.memref_squeeze %dma_start3A_45 : memref<1x64xi32, #tpu.memory_space<hbm>> -> memref<64xi32, #tpu.memory_space<hbm>>
    %dma_start3A_47 = arith.constant 0 : i32
    %dma_start3A_48 = tpu.memref_slice %arg6[%dma_start3A_41, %dma_start3A_47] : memref<4x64xi32, #tpu.memory_space<vmem>> -> memref<1x64xi32, #tpu.memory_space<vmem>>
    %dma_start3A_49 = tpu.memref_squeeze %dma_start3A_48 : memref<1x64xi32, #tpu.memory_space<vmem>> -> memref<64xi32, #tpu.memory_space<vmem>>
    %dma_start3A_50 = tpu.memref_slice %arg2[%dma_start3A_40, %mul3A_2] : memref<4x2048xi32, #tpu.memory_space<hbm>> -> memref<1x64xi32, #tpu.memory_space<hbm>>
    %dma_start3A_51 = tpu.memref_squeeze %dma_start3A_50 : memref<1x64xi32, #tpu.memory_space<hbm>> -> memref<64xi32, #tpu.memory_space<hbm>>
    tpu.enqueue_dma source(%dma_start3A_51 : memref<64xi32, #tpu.memory_space<hbm>>) target(%dma_start3A_49 : memref<64xi32, #tpu.memory_space<vmem>>) target_semaphore(%arg9 : memref<!tpu.dma_semaphore, #tpu.memory_space<semaphore_mem>>)
    %dma_start3A_52 = arith.constant 0 : i32
    %dma_start3A_53 = tpu.memref_slice %arg7[%mul3A_4, %dma_start3A_52] : memref<1024x128xf32, #tpu.memory_space<vmem_shared>> -> memref<64x128xf32, #tpu.memory_space<vmem_shared>>
    %dma_start3A_54 = arith.constant 0 : i32
    %dma_start3A_55 = tpu.memref_slice %arg4[%mul3A_2, %dma_start3A_54] : memref<2048x128xf32, #tpu.memory_space<hbm>> -> memref<64x128xf32, #tpu.memory_space<hbm>>
    tpu.enqueue_dma source(%dma_start3A_55 : memref<64x128xf32, #tpu.memory_space<hbm>>) target(%dma_start3A_53 : memref<64x128xf32, #tpu.memory_space<vmem_shared>>) target_semaphore(%arg10 : memref<!tpu.dma_semaphore, #tpu.memory_space<semaphore_mem>>)
    %dma_wait3A = arith.constant 0 : i32
    %dma_wait3A_56 = tpu.memref_slice %arg7[%mul3A_4, %dma_wait3A] : memref<1024x128xf32, #tpu.memory_space<vmem_shared>> -> memref<64x128xf32, #tpu.memory_space<vmem_shared>>
    %dma_wait3A_57 = arith.constant 0 : i32
    %dma_wait3A_58 = tpu.memref_slice %arg4[%mul3A_2, %dma_wait3A_57] : memref<2048x128xf32, #tpu.memory_space<hbm>> -> memref<64x128xf32, #tpu.memory_space<hbm>>
    tpu.wait_dma2 semaphore(%arg10 : memref<!tpu.dma_semaphore, #tpu.memory_space<semaphore_mem>>) src(%dma_wait3A_58 : memref<64x128xf32, #tpu.memory_space<hbm>>) dst(%dma_wait3A_56 : memref<64x128xf32, #tpu.memory_space<vmem_shared>>)
    %dma_start3A_59 = arith.constant 0 : i32
    %dma_start3A_60 = arith.constant 0 : i32
    %dma_start3A_61 = arith.constant 0 : i32
    %dma_start3A_62 = arith.constant 0 : i32
    %dma_start3A_63 = tpu.memref_slice %arg8[%dma_start3A_59, %dma_start3A_61, %dma_start3A_62] : memref<4x64x128xf32, #tpu.memory_space<vmem>> -> memref<1x64x128xf32, #tpu.memory_space<vmem>>
    %dma_start3A_64 = tpu.memref_squeeze %dma_start3A_63 : memref<1x64x128xf32, #tpu.memory_space<vmem>> -> memref<64x128xf32, #tpu.memory_space<vmem>>
    %dma_start3A_65 = arith.constant 0 : i32
    %dma_start3A_66 = tpu.memref_slice %arg7[%mul3A_4, %dma_start3A_65] : memref<1024x128xf32, #tpu.memory_space<vmem_shared>> -> memref<64x128xf32, #tpu.memory_space<vmem_shared>>
    %dma_start3A_67 = tpu.memref_slice %arg11[%dma_start3A_60] : memref<4x!tpu.dma_semaphore, #tpu.memory_space<semaphore_mem>> -> memref<1x!tpu.dma_semaphore, #tpu.memory_space<semaphore_mem>>
    %dma_start3A_68 = tpu.memref_squeeze %dma_start3A_67 : memref<1x!tpu.dma_semaphore, #tpu.memory_space<semaphore_mem>> -> memref<!tpu.dma_semaphore, #tpu.memory_space<semaphore_mem>>
    %dma_start3A_69 = arith.constant 0 : i32
    %dma_start3A_70 = arith.constant 0 : i32
    %dma_start3A_71 = tpu.memref_slice %arg8[%dma_start3A_59, %dma_start3A_69, %dma_start3A_70] : memref<4x64x128xf32, #tpu.memory_space<vmem>> -> memref<1x64x128xf32, #tpu.memory_space<vmem>>
    %dma_start3A_72 = tpu.memref_squeeze %dma_start3A_71 : memref<1x64x128xf32, #tpu.memory_space<vmem>> -> memref<64x128xf32, #tpu.memory_space<vmem>>
    %dma_start3A_73 = arith.constant 0 : i32
    %dma_start3A_74 = tpu.memref_slice %arg7[%mul3A_4, %dma_start3A_73] : memref<1024x128xf32, #tpu.memory_space<vmem_shared>> -> memref<64x128xf32, #tpu.memory_space<vmem_shared>>
    tpu.enqueue_dma source(%dma_start3A_74 : memref<64x128xf32, #tpu.memory_space<vmem_shared>>) target(%dma_start3A_72 : memref<64x128xf32, #tpu.memory_space<vmem>>) target_semaphore(%dma_start3A_68 : memref<!tpu.dma_semaphore, #tpu.memory_space<semaphore_mem>>)
    %dma_start3A_75 = arith.constant 1 : i32
    %dma_start3A_76 = arith.constant 1 : i32
    %dma_start3A_77 = arith.constant 0 : i32
    %dma_start3A_78 = arith.constant 0 : i32
    %dma_start3A_79 = tpu.memref_slice %arg8[%dma_start3A_75, %dma_start3A_77, %dma_start3A_78] : memref<4x64x128xf32, #tpu.memory_space<vmem>> -> memref<1x64x128xf32, #tpu.memory_space<vmem>>
    %dma_start3A_80 = tpu.memref_squeeze %dma_start3A_79 : memref<1x64x128xf32, #tpu.memory_space<vmem>> -> memref<64x128xf32, #tpu.memory_space<vmem>>
    %dma_start3A_81 = arith.constant 0 : i32
    %dma_start3A_82 = tpu.memref_slice %arg7[%mul3A_4, %dma_start3A_81] : memref<1024x128xf32, #tpu.memory_space<vmem_shared>> -> memref<64x128xf32, #tpu.memory_space<vmem_shared>>
    %dma_start3A_83 = tpu.memref_slice %arg11[%dma_start3A_76] : memref<4x!tpu.dma_semaphore, #tpu.memory_space<semaphore_mem>> -> memref<1x!tpu.dma_semaphore, #tpu.memory_space<semaphore_mem>>
    %dma_start3A_84 = tpu.memref_squeeze %dma_start3A_83 : memref<1x!tpu.dma_semaphore, #tpu.memory_space<semaphore_mem>> -> memref<!tpu.dma_semaphore, #tpu.memory_space<semaphore_mem>>
    %dma_start3A_85 = arith.constant 0 : i32
    %dma_start3A_86 = arith.constant 0 : i32
    %dma_start3A_87 = tpu.memref_slice %arg8[%dma_start3A_75, %dma_start3A_85, %dma_start3A_86] : memref<4x64x128xf32, #tpu.memory_space<vmem>> -> memref<1x64x128xf32, #tpu.memory_space<vmem>>
    %dma_start3A_88 = tpu.memref_squeeze %dma_start3A_87 : memref<1x64x128xf32, #tpu.memory_space<vmem>> -> memref<64x128xf32, #tpu.memory_space<vmem>>
    %dma_start3A_89 = arith.constant 0 : i32
    %dma_start3A_90 = tpu.memref_slice %arg7[%mul3A_4, %dma_start3A_89] : memref<1024x128xf32, #tpu.memory_space<vmem_shared>> -> memref<64x128xf32, #tpu.memory_space<vmem_shared>>
    tpu.enqueue_dma source(%dma_start3A_90 : memref<64x128xf32, #tpu.memory_space<vmem_shared>>) target(%dma_start3A_88 : memref<64x128xf32, #tpu.memory_space<vmem>>) target_semaphore(%dma_start3A_84 : memref<!tpu.dma_semaphore, #tpu.memory_space<semaphore_mem>>)
    %dma_start3A_91 = arith.constant 2 : i32
    %dma_start3A_92 = arith.constant 2 : i32
    %dma_start3A_93 = arith.constant 0 : i32
    %dma_start3A_94 = arith.constant 0 : i32
    %dma_start3A_95 = tpu.memref_slice %arg8[%dma_start3A_91, %dma_start3A_93, %dma_start3A_94] : memref<4x64x128xf32, #tpu.memory_space<vmem>> -> memref<1x64x128xf32, #tpu.memory_space<vmem>>
    %dma_start3A_96 = tpu.memref_squeeze %dma_start3A_95 : memref<1x64x128xf32, #tpu.memory_space<vmem>> -> memref<64x128xf32, #tpu.memory_space<vmem>>
    %dma_start3A_97 = arith.constant 0 : i32
    %dma_start3A_98 = tpu.memref_slice %arg7[%mul3A_4, %dma_start3A_97] : memref<1024x128xf32, #tpu.memory_space<vmem_shared>> -> memref<64x128xf32, #tpu.memory_space<vmem_shared>>
    %dma_start3A_99 = tpu.memref_slice %arg11[%dma_start3A_92] : memref<4x!tpu.dma_semaphore, #tpu.memory_space<semaphore_mem>> -> memref<1x!tpu.dma_semaphore, #tpu.memory_space<semaphore_mem>>
    %dma_start3A_100 = tpu.memref_squeeze %dma_start3A_99 : memref<1x!tpu.dma_semaphore, #tpu.memory_space<semaphore_mem>> -> memref<!tpu.dma_semaphore, #tpu.memory_space<semaphore_mem>>
    %dma_start3A_101 = arith.constant 0 : i32
    %dma_start3A_102 = arith.constant 0 : i32
    %dma_start3A_103 = tpu.memref_slice %arg8[%dma_start3A_91, %dma_start3A_101, %dma_start3A_102] : memref<4x64x128xf32, #tpu.memory_space<vmem>> -> memref<1x64x128xf32, #tpu.memory_space<vmem>>
    %dma_start3A_104 = tpu.memref_squeeze %dma_start3A_103 : memref<1x64x128xf32, #tpu.memory_space<vmem>> -> memref<64x128xf32, #tpu.memory_space<vmem>>
    %dma_start3A_105 = arith.constant 0 : i32
    %dma_start3A_106 = tpu.memref_slice %arg7[%mul3A_4, %dma_start3A_105] : memref<1024x128xf32, #tpu.memory_space<vmem_shared>> -> memref<64x128xf32, #tpu.memory_space<vmem_shared>>
    tpu.enqueue_dma source(%dma_start3A_106 : memref<64x128xf32, #tpu.memory_space<vmem_shared>>) target(%dma_start3A_104 : memref<64x128xf32, #tpu.memory_space<vmem>>) target_semaphore(%dma_start3A_100 : memref<!tpu.dma_semaphore, #tpu.memory_space<semaphore_mem>>)
    %dma_start3A_107 = arith.constant 3 : i32
    %dma_start3A_108 = arith.constant 3 : i32
    %dma_start3A_109 = arith.constant 0 : i32
    %dma_start3A_110 = arith.constant 0 : i32
    %dma_start3A_111 = tpu.memref_slice %arg8[%dma_start3A_107, %dma_start3A_109, %dma_start3A_110] : memref<4x64x128xf32, #tpu.memory_space<vmem>> -> memref<1x64x128xf32, #tpu.memory_space<vmem>>
    %dma_start3A_112 = tpu.memref_squeeze %dma_start3A_111 : memref<1x64x128xf32, #tpu.memory_space<vmem>> -> memref<64x128xf32, #tpu.memory_space<vmem>>
    %dma_start3A_113 = arith.constant 0 : i32
    %dma_start3A_114 = tpu.memref_slice %arg7[%mul3A_4, %dma_start3A_113] : memref<1024x128xf32, #tpu.memory_space<vmem_shared>> -> memref<64x128xf32, #tpu.memory_space<vmem_shared>>
    %dma_start3A_115 = tpu.memref_slice %arg11[%dma_start3A_108] : memref<4x!tpu.dma_semaphore, #tpu.memory_space<semaphore_mem>> -> memref<1x!tpu.dma_semaphore, #tpu.memory_space<semaphore_mem>>
    %dma_start3A_116 = tpu.memref_squeeze %dma_start3A_115 : memref<1x!tpu.dma_semaphore, #tpu.memory_space<semaphore_mem>> -> memref<!tpu.dma_semaphore, #tpu.memory_space<semaphore_mem>>
    %dma_start3A_117 = arith.constant 0 : i32
    %dma_start3A_118 = arith.constant 0 : i32
    %dma_start3A_119 = tpu.memref_slice %arg8[%dma_start3A_107, %dma_start3A_117, %dma_start3A_118] : memref<4x64x128xf32, #tpu.memory_space<vmem>> -> memref<1x64x128xf32, #tpu.memory_space<vmem>>
    %dma_start3A_120 = tpu.memref_squeeze %dma_start3A_119 : memref<1x64x128xf32, #tpu.memory_space<vmem>> -> memref<64x128xf32, #tpu.memory_space<vmem>>
    %dma_start3A_121 = arith.constant 0 : i32
    %dma_start3A_122 = tpu.memref_slice %arg7[%mul3A_4, %dma_start3A_121] : memref<1024x128xf32, #tpu.memory_space<vmem_shared>> -> memref<64x128xf32, #tpu.memory_space<vmem_shared>>
    tpu.enqueue_dma source(%dma_start3A_122 : memref<64x128xf32, #tpu.memory_space<vmem_shared>>) target(%dma_start3A_120 : memref<64x128xf32, #tpu.memory_space<vmem>>) target_semaphore(%dma_start3A_116 : memref<!tpu.dma_semaphore, #tpu.memory_space<semaphore_mem>>)
    %dma_wait3A_123 = arith.constant 0 : i32
    %dma_wait3A_124 = arith.constant 0 : i32
    %dma_wait3A_125 = arith.constant 0 : i32
    %dma_wait3A_126 = tpu.memref_slice %arg6[%dma_wait3A_124, %dma_wait3A_125] : memref<4x64xi32, #tpu.memory_space<vmem>> -> memref<1x64xi32, #tpu.memory_space<vmem>>
    %dma_wait3A_127 = tpu.memref_squeeze %dma_wait3A_126 : memref<1x64xi32, #tpu.memory_space<vmem>> -> memref<64xi32, #tpu.memory_space<vmem>>
    %dma_wait3A_128 = tpu.memref_slice %arg2[%dma_wait3A_123, %mul3A_2] : memref<4x2048xi32, #tpu.memory_space<hbm>> -> memref<1x64xi32, #tpu.memory_space<hbm>>
    %dma_wait3A_129 = tpu.memref_squeeze %dma_wait3A_128 : memref<1x64xi32, #tpu.memory_space<hbm>> -> memref<64xi32, #tpu.memory_space<hbm>>
    %dma_wait3A_130 = arith.constant 0 : i32
    %dma_wait3A_131 = tpu.memref_slice %arg6[%dma_wait3A_124, %dma_wait3A_130] : memref<4x64xi32, #tpu.memory_space<vmem>> -> memref<1x64xi32, #tpu.memory_space<vmem>>
    %dma_wait3A_132 = tpu.memref_squeeze %dma_wait3A_131 : memref<1x64xi32, #tpu.memory_space<vmem>> -> memref<64xi32, #tpu.memory_space<vmem>>
    %dma_wait3A_133 = tpu.memref_slice %arg2[%dma_wait3A_123, %mul3A_2] : memref<4x2048xi32, #tpu.memory_space<hbm>> -> memref<1x64xi32, #tpu.memory_space<hbm>>
    %dma_wait3A_134 = tpu.memref_squeeze %dma_wait3A_133 : memref<1x64xi32, #tpu.memory_space<hbm>> -> memref<64xi32, #tpu.memory_space<hbm>>
    tpu.wait_dma2 semaphore(%arg9 : memref<!tpu.dma_semaphore, #tpu.memory_space<semaphore_mem>>) src(%dma_wait3A_134 : memref<64xi32, #tpu.memory_space<hbm>>) dst(%dma_wait3A_132 : memref<64xi32, #tpu.memory_space<vmem>>)
    %dma_wait3A_135 = arith.constant 1 : i32
    %dma_wait3A_136 = arith.constant 1 : i32
    %dma_wait3A_137 = arith.constant 0 : i32
    %dma_wait3A_138 = tpu.memref_slice %arg6[%dma_wait3A_136, %dma_wait3A_137] : memref<4x64xi32, #tpu.memory_space<vmem>> -> memref<1x64xi32, #tpu.memory_space<vmem>>
    %dma_wait3A_139 = tpu.memref_squeeze %dma_wait3A_138 : memref<1x64xi32, #tpu.memory_space<vmem>> -> memref<64xi32, #tpu.memory_space<vmem>>
    %dma_wait3A_140 = tpu.memref_slice %arg2[%dma_wait3A_135, %mul3A_2] : memref<4x2048xi32, #tpu.memory_space<hbm>> -> memref<1x64xi32, #tpu.memory_space<hbm>>
    %dma_wait3A_141 = tpu.memref_squeeze %dma_wait3A_140 : memref<1x64xi32, #tpu.memory_space<hbm>> -> memref<64xi32, #tpu.memory_space<hbm>>
    %dma_wait3A_142 = arith.constant 0 : i32
    %dma_wait3A_143 = tpu.memref_slice %arg6[%dma_wait3A_136, %dma_wait3A_142] : memref<4x64xi32, #tpu.memory_space<vmem>> -> memref<1x64xi32, #tpu.memory_space<vmem>>
    %dma_wait3A_144 = tpu.memref_squeeze %dma_wait3A_143 : memref<1x64xi32, #tpu.memory_space<vmem>> -> memref<64xi32, #tpu.memory_space<vmem>>
    %dma_wait3A_145 = tpu.memref_slice %arg2[%dma_wait3A_135, %mul3A_2] : memref<4x2048xi32, #tpu.memory_space<hbm>> -> memref<1x64xi32, #tpu.memory_space<hbm>>
    %dma_wait3A_146 = tpu.memref_squeeze %dma_wait3A_145 : memref<1x64xi32, #tpu.memory_space<hbm>> -> memref<64xi32, #tpu.memory_space<hbm>>
    tpu.wait_dma2 semaphore(%arg9 : memref<!tpu.dma_semaphore, #tpu.memory_space<semaphore_mem>>) src(%dma_wait3A_146 : memref<64xi32, #tpu.memory_space<hbm>>) dst(%dma_wait3A_144 : memref<64xi32, #tpu.memory_space<vmem>>)
    %dma_wait3A_147 = arith.constant 2 : i32
    %dma_wait3A_148 = arith.constant 2 : i32
    %dma_wait3A_149 = arith.constant 0 : i32
    %dma_wait3A_150 = tpu.memref_slice %arg6[%dma_wait3A_148, %dma_wait3A_149] : memref<4x64xi32, #tpu.memory_space<vmem>> -> memref<1x64xi32, #tpu.memory_space<vmem>>
    %dma_wait3A_151 = tpu.memref_squeeze %dma_wait3A_150 : memref<1x64xi32, #tpu.memory_space<vmem>> -> memref<64xi32, #tpu.memory_space<vmem>>
    %dma_wait3A_152 = tpu.memref_slice %arg2[%dma_wait3A_147, %mul3A_2] : memref<4x2048xi32, #tpu.memory_space<hbm>> -> memref<1x64xi32, #tpu.memory_space<hbm>>
    %dma_wait3A_153 = tpu.memref_squeeze %dma_wait3A_152 : memref<1x64xi32, #tpu.memory_space<hbm>> -> memref<64xi32, #tpu.memory_space<hbm>>
    %dma_wait3A_154 = arith.constant 0 : i32
    %dma_wait3A_155 = tpu.memref_slice %arg6[%dma_wait3A_148, %dma_wait3A_154] : memref<4x64xi32, #tpu.memory_space<vmem>> -> memref<1x64xi32, #tpu.memory_space<vmem>>
    %dma_wait3A_156 = tpu.memref_squeeze %dma_wait3A_155 : memref<1x64xi32, #tpu.memory_space<vmem>> -> memref<64xi32, #tpu.memory_space<vmem>>
    %dma_wait3A_157 = tpu.memref_slice %arg2[%dma_wait3A_147, %mul3A_2] : memref<4x2048xi32, #tpu.memory_space<hbm>> -> memref<1x64xi32, #tpu.memory_space<hbm>>
    %dma_wait3A_158 = tpu.memref_squeeze %dma_wait3A_157 : memref<1x64xi32, #tpu.memory_space<hbm>> -> memref<64xi32, #tpu.memory_space<hbm>>
    tpu.wait_dma2 semaphore(%arg9 : memref<!tpu.dma_semaphore, #tpu.memory_space<semaphore_mem>>) src(%dma_wait3A_158 : memref<64xi32, #tpu.memory_space<hbm>>) dst(%dma_wait3A_156 : memref<64xi32, #tpu.memory_space<vmem>>)
    %dma_wait3A_159 = arith.constant 3 : i32
    %dma_wait3A_160 = arith.constant 3 : i32
    %dma_wait3A_161 = arith.constant 0 : i32
    %dma_wait3A_162 = tpu.memref_slice %arg6[%dma_wait3A_160, %dma_wait3A_161] : memref<4x64xi32, #tpu.memory_space<vmem>> -> memref<1x64xi32, #tpu.memory_space<vmem>>
    %dma_wait3A_163 = tpu.memref_squeeze %dma_wait3A_162 : memref<1x64xi32, #tpu.memory_space<vmem>> -> memref<64xi32, #tpu.memory_space<vmem>>
    %dma_wait3A_164 = tpu.memref_slice %arg2[%dma_wait3A_159, %mul3A_2] : memref<4x2048xi32, #tpu.memory_space<hbm>> -> memref<1x64xi32, #tpu.memory_space<hbm>>
    %dma_wait3A_165 = tpu.memref_squeeze %dma_wait3A_164 : memref<1x64xi32, #tpu.memory_space<hbm>> -> memref<64xi32, #tpu.memory_space<hbm>>
    %dma_wait3A_166 = arith.constant 0 : i32
    %dma_wait3A_167 = tpu.memref_slice %arg6[%dma_wait3A_160, %dma_wait3A_166] : memref<4x64xi32, #tpu.memory_space<vmem>> -> memref<1x64xi32, #tpu.memory_space<vmem>>
    %dma_wait3A_168 = tpu.memref_squeeze %dma_wait3A_167 : memref<1x64xi32, #tpu.memory_space<vmem>> -> memref<64xi32, #tpu.memory_space<vmem>>
    %dma_wait3A_169 = tpu.memref_slice %arg2[%dma_wait3A_159, %mul3A_2] : memref<4x2048xi32, #tpu.memory_space<hbm>> -> memref<1x64xi32, #tpu.memory_space<hbm>>
    %dma_wait3A_170 = tpu.memref_squeeze %dma_wait3A_169 : memref<1x64xi32, #tpu.memory_space<hbm>> -> memref<64xi32, #tpu.memory_space<hbm>>
    tpu.wait_dma2 semaphore(%arg9 : memref<!tpu.dma_semaphore, #tpu.memory_space<semaphore_mem>>) src(%dma_wait3A_170 : memref<64xi32, #tpu.memory_space<hbm>>) dst(%dma_wait3A_168 : memref<64xi32, #tpu.memory_space<vmem>>)
    %dma_wait3A_171 = arith.constant 0 : i32
    %dma_wait3A_172 = arith.constant 0 : i32
    %dma_wait3A_173 = arith.constant 0 : i32
    %dma_wait3A_174 = arith.constant 0 : i32
    %dma_wait3A_175 = tpu.memref_slice %arg8[%dma_wait3A_171, %dma_wait3A_173, %dma_wait3A_174] : memref<4x64x128xf32, #tpu.memory_space<vmem>> -> memref<1x64x128xf32, #tpu.memory_space<vmem>>
    %dma_wait3A_176 = tpu.memref_squeeze %dma_wait3A_175 : memref<1x64x128xf32, #tpu.memory_space<vmem>> -> memref<64x128xf32, #tpu.memory_space<vmem>>
    %dma_wait3A_177 = arith.constant 0 : i32
    %dma_wait3A_178 = tpu.memref_slice %arg7[%mul3A_4, %dma_wait3A_177] : memref<1024x128xf32, #tpu.memory_space<vmem_shared>> -> memref<64x128xf32, #tpu.memory_space<vmem_shared>>
    %dma_wait3A_179 = tpu.memref_slice %arg11[%dma_wait3A_172] : memref<4x!tpu.dma_semaphore, #tpu.memory_space<semaphore_mem>> -> memref<1x!tpu.dma_semaphore, #tpu.memory_space<semaphore_mem>>
    %dma_wait3A_180 = tpu.memref_squeeze %dma_wait3A_179 : memref<1x!tpu.dma_semaphore, #tpu.memory_space<semaphore_mem>> -> memref<!tpu.dma_semaphore, #tpu.memory_space<semaphore_mem>>
    %dma_wait3A_181 = arith.constant 0 : i32
    %dma_wait3A_182 = arith.constant 0 : i32
    %dma_wait3A_183 = tpu.memref_slice %arg8[%dma_wait3A_171, %dma_wait3A_181, %dma_wait3A_182] : memref<4x64x128xf32, #tpu.memory_space<vmem>> -> memref<1x64x128xf32, #tpu.memory_space<vmem>>
    %dma_wait3A_184 = tpu.memref_squeeze %dma_wait3A_183 : memref<1x64x128xf32, #tpu.memory_space<vmem>> -> memref<64x128xf32, #tpu.memory_space<vmem>>
    %dma_wait3A_185 = arith.constant 0 : i32
    %dma_wait3A_186 = tpu.memref_slice %arg7[%mul3A_4, %dma_wait3A_185] : memref<1024x128xf32, #tpu.memory_space<vmem_shared>> -> memref<64x128xf32, #tpu.memory_space<vmem_shared>>
    tpu.wait_dma2 semaphore(%dma_wait3A_180 : memref<!tpu.dma_semaphore, #tpu.memory_space<semaphore_mem>>) src(%dma_wait3A_186 : memref<64x128xf32, #tpu.memory_space<vmem_shared>>) dst(%dma_wait3A_184 : memref<64x128xf32, #tpu.memory_space<vmem>>)
    %dma_start3A_187 = arith.constant 0 : i32
    %dma_start3A_188 = arith.constant 0 : i32
    %dma_start3A_189 = arith.constant 0 : i32
    %dma_start3A_190 = arith.constant 0 : i32
    %dma_start3A_191 = arith.constant 0 : i32
    %dma_start3A_192 = tpu.memref_slice %arg8[%dma_start3A_188, %dma_start3A_190, %dma_start3A_191] : memref<4x64x128xf32, #tpu.memory_space<vmem>> -> memref<1x64x128xf32, #tpu.memory_space<vmem>>
    %dma_start3A_193 = tpu.memref_squeeze %dma_start3A_192 : memref<1x64x128xf32, #tpu.memory_space<vmem>> -> memref<64x128xf32, #tpu.memory_space<vmem>>
    %dma_start3A_194 = arith.constant 0 : i32
    %dma_start3A_195 = tpu.memref_slice %arg6[%dma_start3A_187, %dma_start3A_194] : memref<4x64xi32, #tpu.memory_space<vmem>> -> memref<1x64xi32, #tpu.memory_space<vmem>>
    %dma_start3A_196 = tpu.memref_squeeze %dma_start3A_195 : memref<1x64xi32, #tpu.memory_space<vmem>> -> memref<64xi32, #tpu.memory_space<vmem>>
    %dma_start3A_197 = arith.constant 0 : i32
    %dma_start3A_198 = arith.constant 0 : i32
    %dma_start3A_199 = tpu.memref_slice %arg3[%dma_start3A_197, %dma_start3A_198] : memref<100000x128xf32, #tpu.memory_space<hbm>> -> memref<100000x128xf32, #tpu.memory_space<hbm>>
    %dma_start3A_200 = tpu.memref_slice %arg12[%dma_start3A_189] : memref<4x!tpu.dma_semaphore, #tpu.memory_space<semaphore_mem>> -> memref<1x!tpu.dma_semaphore, #tpu.memory_space<semaphore_mem>>
    %dma_start3A_201 = tpu.memref_squeeze %dma_start3A_200 : memref<1x!tpu.dma_semaphore, #tpu.memory_space<semaphore_mem>> -> memref<!tpu.dma_semaphore, #tpu.memory_space<semaphore_mem>>
    tpu.enqueue_indirect_dma source(%dma_start3A_199 : memref<100000x128xf32, #tpu.memory_space<hbm>>) target(%dma_start3A_193 : memref<64x128xf32, #tpu.memory_space<vmem>>) offsets(%dma_start3A_196 : memref<64xi32, #tpu.memory_space<vmem>>) semaphore(%dma_start3A_201 : memref<!tpu.dma_semaphore, #tpu.memory_space<semaphore_mem>>) {add = true}
    %dma_wait3A_202 = arith.constant 1 : i32
    %dma_wait3A_203 = arith.constant 1 : i32
    %dma_wait3A_204 = arith.constant 0 : i32
    %dma_wait3A_205 = arith.constant 0 : i32
    %dma_wait3A_206 = tpu.memref_slice %arg8[%dma_wait3A_202, %dma_wait3A_204, %dma_wait3A_205] : memref<4x64x128xf32, #tpu.memory_space<vmem>> -> memref<1x64x128xf32, #tpu.memory_space<vmem>>
    %dma_wait3A_207 = tpu.memref_squeeze %dma_wait3A_206 : memref<1x64x128xf32, #tpu.memory_space<vmem>> -> memref<64x128xf32, #tpu.memory_space<vmem>>
    %dma_wait3A_208 = arith.constant 0 : i32
    %dma_wait3A_209 = tpu.memref_slice %arg7[%mul3A_4, %dma_wait3A_208] : memref<1024x128xf32, #tpu.memory_space<vmem_shared>> -> memref<64x128xf32, #tpu.memory_space<vmem_shared>>
    %dma_wait3A_210 = tpu.memref_slice %arg11[%dma_wait3A_203] : memref<4x!tpu.dma_semaphore, #tpu.memory_space<semaphore_mem>> -> memref<1x!tpu.dma_semaphore, #tpu.memory_space<semaphore_mem>>
    %dma_wait3A_211 = tpu.memref_squeeze %dma_wait3A_210 : memref<1x!tpu.dma_semaphore, #tpu.memory_space<semaphore_mem>> -> memref<!tpu.dma_semaphore, #tpu.memory_space<semaphore_mem>>
    %dma_wait3A_212 = arith.constant 0 : i32
    %dma_wait3A_213 = arith.constant 0 : i32
    %dma_wait3A_214 = tpu.memref_slice %arg8[%dma_wait3A_202, %dma_wait3A_212, %dma_wait3A_213] : memref<4x64x128xf32, #tpu.memory_space<vmem>> -> memref<1x64x128xf32, #tpu.memory_space<vmem>>
    %dma_wait3A_215 = tpu.memref_squeeze %dma_wait3A_214 : memref<1x64x128xf32, #tpu.memory_space<vmem>> -> memref<64x128xf32, #tpu.memory_space<vmem>>
    %dma_wait3A_216 = arith.constant 0 : i32
    %dma_wait3A_217 = tpu.memref_slice %arg7[%mul3A_4, %dma_wait3A_216] : memref<1024x128xf32, #tpu.memory_space<vmem_shared>> -> memref<64x128xf32, #tpu.memory_space<vmem_shared>>
    tpu.wait_dma2 semaphore(%dma_wait3A_211 : memref<!tpu.dma_semaphore, #tpu.memory_space<semaphore_mem>>) src(%dma_wait3A_217 : memref<64x128xf32, #tpu.memory_space<vmem_shared>>) dst(%dma_wait3A_215 : memref<64x128xf32, #tpu.memory_space<vmem>>)
    %dma_start3A_218 = arith.constant 1 : i32
    %dma_start3A_219 = arith.constant 1 : i32
    %dma_start3A_220 = arith.constant 1 : i32
    %dma_start3A_221 = arith.constant 0 : i32
    %dma_start3A_222 = arith.constant 0 : i32
    %dma_start3A_223 = tpu.memref_slice %arg8[%dma_start3A_219, %dma_start3A_221, %dma_start3A_222] : memref<4x64x128xf32, #tpu.memory_space<vmem>> -> memref<1x64x128xf32, #tpu.memory_space<vmem>>
    %dma_start3A_224 = tpu.memref_squeeze %dma_start3A_223 : memref<1x64x128xf32, #tpu.memory_space<vmem>> -> memref<64x128xf32, #tpu.memory_space<vmem>>
    %dma_start3A_225 = arith.constant 0 : i32
    %dma_start3A_226 = tpu.memref_slice %arg6[%dma_start3A_218, %dma_start3A_225] : memref<4x64xi32, #tpu.memory_space<vmem>> -> memref<1x64xi32, #tpu.memory_space<vmem>>
    %dma_start3A_227 = tpu.memref_squeeze %dma_start3A_226 : memref<1x64xi32, #tpu.memory_space<vmem>> -> memref<64xi32, #tpu.memory_space<vmem>>
    %dma_start3A_228 = arith.constant 0 : i32
    %dma_start3A_229 = arith.constant 0 : i32
    %dma_start3A_230 = tpu.memref_slice %arg3[%dma_start3A_228, %dma_start3A_229] : memref<100000x128xf32, #tpu.memory_space<hbm>> -> memref<100000x128xf32, #tpu.memory_space<hbm>>
    %dma_start3A_231 = tpu.memref_slice %arg12[%dma_start3A_220] : memref<4x!tpu.dma_semaphore, #tpu.memory_space<semaphore_mem>> -> memref<1x!tpu.dma_semaphore, #tpu.memory_space<semaphore_mem>>
    %dma_start3A_232 = tpu.memref_squeeze %dma_start3A_231 : memref<1x!tpu.dma_semaphore, #tpu.memory_space<semaphore_mem>> -> memref<!tpu.dma_semaphore, #tpu.memory_space<semaphore_mem>>
    tpu.enqueue_indirect_dma source(%dma_start3A_230 : memref<100000x128xf32, #tpu.memory_space<hbm>>) target(%dma_start3A_224 : memref<64x128xf32, #tpu.memory_space<vmem>>) offsets(%dma_start3A_227 : memref<64xi32, #tpu.memory_space<vmem>>) semaphore(%dma_start3A_232 : memref<!tpu.dma_semaphore, #tpu.memory_space<semaphore_mem>>) {add = true}
    %dma_wait3A_233 = arith.constant 2 : i32
    %dma_wait3A_234 = arith.constant 2 : i32
    %dma_wait3A_235 = arith.constant 0 : i32
    %dma_wait3A_236 = arith.constant 0 : i32
    %dma_wait3A_237 = tpu.memref_slice %arg8[%dma_wait3A_233, %dma_wait3A_235, %dma_wait3A_236] : memref<4x64x128xf32, #tpu.memory_space<vmem>> -> memref<1x64x128xf32, #tpu.memory_space<vmem>>
    %dma_wait3A_238 = tpu.memref_squeeze %dma_wait3A_237 : memref<1x64x128xf32, #tpu.memory_space<vmem>> -> memref<64x128xf32, #tpu.memory_space<vmem>>
    %dma_wait3A_239 = arith.constant 0 : i32
    %dma_wait3A_240 = tpu.memref_slice %arg7[%mul3A_4, %dma_wait3A_239] : memref<1024x128xf32, #tpu.memory_space<vmem_shared>> -> memref<64x128xf32, #tpu.memory_space<vmem_shared>>
    %dma_wait3A_241 = tpu.memref_slice %arg11[%dma_wait3A_234] : memref<4x!tpu.dma_semaphore, #tpu.memory_space<semaphore_mem>> -> memref<1x!tpu.dma_semaphore, #tpu.memory_space<semaphore_mem>>
    %dma_wait3A_242 = tpu.memref_squeeze %dma_wait3A_241 : memref<1x!tpu.dma_semaphore, #tpu.memory_space<semaphore_mem>> -> memref<!tpu.dma_semaphore, #tpu.memory_space<semaphore_mem>>
    %dma_wait3A_243 = arith.constant 0 : i32
    %dma_wait3A_244 = arith.constant 0 : i32
    %dma_wait3A_245 = tpu.memref_slice %arg8[%dma_wait3A_233, %dma_wait3A_243, %dma_wait3A_244] : memref<4x64x128xf32, #tpu.memory_space<vmem>> -> memref<1x64x128xf32, #tpu.memory_space<vmem>>
    %dma_wait3A_246 = tpu.memref_squeeze %dma_wait3A_245 : memref<1x64x128xf32, #tpu.memory_space<vmem>> -> memref<64x128xf32, #tpu.memory_space<vmem>>
    %dma_wait3A_247 = arith.constant 0 : i32
    %dma_wait3A_248 = tpu.memref_slice %arg7[%mul3A_4, %dma_wait3A_247] : memref<1024x128xf32, #tpu.memory_space<vmem_shared>> -> memref<64x128xf32, #tpu.memory_space<vmem_shared>>
    tpu.wait_dma2 semaphore(%dma_wait3A_242 : memref<!tpu.dma_semaphore, #tpu.memory_space<semaphore_mem>>) src(%dma_wait3A_248 : memref<64x128xf32, #tpu.memory_space<vmem_shared>>) dst(%dma_wait3A_246 : memref<64x128xf32, #tpu.memory_space<vmem>>)
    %dma_start3A_249 = arith.constant 2 : i32
    %dma_start3A_250 = arith.constant 2 : i32
    %dma_start3A_251 = arith.constant 2 : i32
    %dma_start3A_252 = arith.constant 0 : i32
    %dma_start3A_253 = arith.constant 0 : i32
    %dma_start3A_254 = tpu.memref_slice %arg8[%dma_start3A_250, %dma_start3A_252, %dma_start3A_253] : memref<4x64x128xf32, #tpu.memory_space<vmem>> -> memref<1x64x128xf32, #tpu.memory_space<vmem>>
    %dma_start3A_255 = tpu.memref_squeeze %dma_start3A_254 : memref<1x64x128xf32, #tpu.memory_space<vmem>> -> memref<64x128xf32, #tpu.memory_space<vmem>>
    %dma_start3A_256 = arith.constant 0 : i32
    %dma_start3A_257 = tpu.memref_slice %arg6[%dma_start3A_249, %dma_start3A_256] : memref<4x64xi32, #tpu.memory_space<vmem>> -> memref<1x64xi32, #tpu.memory_space<vmem>>
    %dma_start3A_258 = tpu.memref_squeeze %dma_start3A_257 : memref<1x64xi32, #tpu.memory_space<vmem>> -> memref<64xi32, #tpu.memory_space<vmem>>
    %dma_start3A_259 = arith.constant 0 : i32
    %dma_start3A_260 = arith.constant 0 : i32
    %dma_start3A_261 = tpu.memref_slice %arg3[%dma_start3A_259, %dma_start3A_260] : memref<100000x128xf32, #tpu.memory_space<hbm>> -> memref<100000x128xf32, #tpu.memory_space<hbm>>
    %dma_start3A_262 = tpu.memref_slice %arg12[%dma_start3A_251] : memref<4x!tpu.dma_semaphore, #tpu.memory_space<semaphore_mem>> -> memref<1x!tpu.dma_semaphore, #tpu.memory_space<semaphore_mem>>
    %dma_start3A_263 = tpu.memref_squeeze %dma_start3A_262 : memref<1x!tpu.dma_semaphore, #tpu.memory_space<semaphore_mem>> -> memref<!tpu.dma_semaphore, #tpu.memory_space<semaphore_mem>>
    tpu.enqueue_indirect_dma source(%dma_start3A_261 : memref<100000x128xf32, #tpu.memory_space<hbm>>) target(%dma_start3A_255 : memref<64x128xf32, #tpu.memory_space<vmem>>) offsets(%dma_start3A_258 : memref<64xi32, #tpu.memory_space<vmem>>) semaphore(%dma_start3A_263 : memref<!tpu.dma_semaphore, #tpu.memory_space<semaphore_mem>>) {add = true}
    %dma_wait3A_264 = arith.constant 3 : i32
    %dma_wait3A_265 = arith.constant 3 : i32
    %dma_wait3A_266 = arith.constant 0 : i32
    %dma_wait3A_267 = arith.constant 0 : i32
    %dma_wait3A_268 = tpu.memref_slice %arg8[%dma_wait3A_264, %dma_wait3A_266, %dma_wait3A_267] : memref<4x64x128xf32, #tpu.memory_space<vmem>> -> memref<1x64x128xf32, #tpu.memory_space<vmem>>
    %dma_wait3A_269 = tpu.memref_squeeze %dma_wait3A_268 : memref<1x64x128xf32, #tpu.memory_space<vmem>> -> memref<64x128xf32, #tpu.memory_space<vmem>>
    %dma_wait3A_270 = arith.constant 0 : i32
    %dma_wait3A_271 = tpu.memref_slice %arg7[%mul3A_4, %dma_wait3A_270] : memref<1024x128xf32, #tpu.memory_space<vmem_shared>> -> memref<64x128xf32, #tpu.memory_space<vmem_shared>>
    %dma_wait3A_272 = tpu.memref_slice %arg11[%dma_wait3A_265] : memref<4x!tpu.dma_semaphore, #tpu.memory_space<semaphore_mem>> -> memref<1x!tpu.dma_semaphore, #tpu.memory_space<semaphore_mem>>
    %dma_wait3A_273 = tpu.memref_squeeze %dma_wait3A_272 : memref<1x!tpu.dma_semaphore, #tpu.memory_space<semaphore_mem>> -> memref<!tpu.dma_semaphore, #tpu.memory_space<semaphore_mem>>
    %dma_wait3A_274 = arith.constant 0 : i32
    %dma_wait3A_275 = arith.constant 0 : i32
    %dma_wait3A_276 = tpu.memref_slice %arg8[%dma_wait3A_264, %dma_wait3A_274, %dma_wait3A_275] : memref<4x64x128xf32, #tpu.memory_space<vmem>> -> memref<1x64x128xf32, #tpu.memory_space<vmem>>
    %dma_wait3A_277 = tpu.memref_squeeze %dma_wait3A_276 : memref<1x64x128xf32, #tpu.memory_space<vmem>> -> memref<64x128xf32, #tpu.memory_space<vmem>>
    %dma_wait3A_278 = arith.constant 0 : i32
    %dma_wait3A_279 = tpu.memref_slice %arg7[%mul3A_4, %dma_wait3A_278] : memref<1024x128xf32, #tpu.memory_space<vmem_shared>> -> memref<64x128xf32, #tpu.memory_space<vmem_shared>>
    tpu.wait_dma2 semaphore(%dma_wait3A_273 : memref<!tpu.dma_semaphore, #tpu.memory_space<semaphore_mem>>) src(%dma_wait3A_279 : memref<64x128xf32, #tpu.memory_space<vmem_shared>>) dst(%dma_wait3A_277 : memref<64x128xf32, #tpu.memory_space<vmem>>)
    %dma_start3A_280 = arith.constant 3 : i32
    %dma_start3A_281 = arith.constant 3 : i32
    %dma_start3A_282 = arith.constant 3 : i32
    %dma_start3A_283 = arith.constant 0 : i32
    %dma_start3A_284 = arith.constant 0 : i32
    %dma_start3A_285 = tpu.memref_slice %arg8[%dma_start3A_281, %dma_start3A_283, %dma_start3A_284] : memref<4x64x128xf32, #tpu.memory_space<vmem>> -> memref<1x64x128xf32, #tpu.memory_space<vmem>>
    %dma_start3A_286 = tpu.memref_squeeze %dma_start3A_285 : memref<1x64x128xf32, #tpu.memory_space<vmem>> -> memref<64x128xf32, #tpu.memory_space<vmem>>
    %dma_start3A_287 = arith.constant 0 : i32
    %dma_start3A_288 = tpu.memref_slice %arg6[%dma_start3A_280, %dma_start3A_287] : memref<4x64xi32, #tpu.memory_space<vmem>> -> memref<1x64xi32, #tpu.memory_space<vmem>>
    %dma_start3A_289 = tpu.memref_squeeze %dma_start3A_288 : memref<1x64xi32, #tpu.memory_space<vmem>> -> memref<64xi32, #tpu.memory_space<vmem>>
    %dma_start3A_290 = arith.constant 0 : i32
    %dma_start3A_291 = arith.constant 0 : i32
    %dma_start3A_292 = tpu.memref_slice %arg3[%dma_start3A_290, %dma_start3A_291] : memref<100000x128xf32, #tpu.memory_space<hbm>> -> memref<100000x128xf32, #tpu.memory_space<hbm>>
    %dma_start3A_293 = tpu.memref_slice %arg12[%dma_start3A_282] : memref<4x!tpu.dma_semaphore, #tpu.memory_space<semaphore_mem>> -> memref<1x!tpu.dma_semaphore, #tpu.memory_space<semaphore_mem>>
    %dma_start3A_294 = tpu.memref_squeeze %dma_start3A_293 : memref<1x!tpu.dma_semaphore, #tpu.memory_space<semaphore_mem>> -> memref<!tpu.dma_semaphore, #tpu.memory_space<semaphore_mem>>
    tpu.enqueue_indirect_dma source(%dma_start3A_292 : memref<100000x128xf32, #tpu.memory_space<hbm>>) target(%dma_start3A_286 : memref<64x128xf32, #tpu.memory_space<vmem>>) offsets(%dma_start3A_289 : memref<64xi32, #tpu.memory_space<vmem>>) semaphore(%dma_start3A_294 : memref<!tpu.dma_semaphore, #tpu.memory_space<semaphore_mem>>) {add = true}
    %dma_wait3A_295 = arith.constant 0 : i32
    %dma_wait3A_296 = arith.constant 0 : i32
    %dma_wait3A_297 = arith.constant 0 : i32
    %dma_wait3A_298 = arith.constant 0 : i32
    %dma_wait3A_299 = arith.constant 0 : i32
    %dma_wait3A_300 = tpu.memref_slice %arg8[%dma_wait3A_296, %dma_wait3A_298, %dma_wait3A_299] : memref<4x64x128xf32, #tpu.memory_space<vmem>> -> memref<1x64x128xf32, #tpu.memory_space<vmem>>
    %dma_wait3A_301 = tpu.memref_squeeze %dma_wait3A_300 : memref<1x64x128xf32, #tpu.memory_space<vmem>> -> memref<64x128xf32, #tpu.memory_space<vmem>>
    %dma_wait3A_302 = arith.constant 0 : i32
    %dma_wait3A_303 = tpu.memref_slice %arg6[%dma_wait3A_295, %dma_wait3A_302] : memref<4x64xi32, #tpu.memory_space<vmem>> -> memref<1x64xi32, #tpu.memory_space<vmem>>
    %dma_wait3A_304 = tpu.memref_squeeze %dma_wait3A_303 : memref<1x64xi32, #tpu.memory_space<vmem>> -> memref<64xi32, #tpu.memory_space<vmem>>
    %dma_wait3A_305 = arith.constant 0 : i32
    %dma_wait3A_306 = arith.constant 0 : i32
    %dma_wait3A_307 = tpu.memref_slice %arg3[%dma_wait3A_305, %dma_wait3A_306] : memref<100000x128xf32, #tpu.memory_space<hbm>> -> memref<100000x128xf32, #tpu.memory_space<hbm>>
    %dma_wait3A_308 = tpu.memref_slice %arg12[%dma_wait3A_297] : memref<4x!tpu.dma_semaphore, #tpu.memory_space<semaphore_mem>> -> memref<1x!tpu.dma_semaphore, #tpu.memory_space<semaphore_mem>>
    %dma_wait3A_309 = tpu.memref_squeeze %dma_wait3A_308 : memref<1x!tpu.dma_semaphore, #tpu.memory_space<semaphore_mem>> -> memref<!tpu.dma_semaphore, #tpu.memory_space<semaphore_mem>>
    tpu.wait_indirect_dma semaphore(%dma_wait3A_309 : memref<!tpu.dma_semaphore, #tpu.memory_space<semaphore_mem>>) src(%dma_wait3A_307 : memref<100000x128xf32, #tpu.memory_space<hbm>>) dst(%dma_wait3A_301 : memref<64x128xf32, #tpu.memory_space<vmem>>)
    %dma_wait3A_310 = arith.constant 1 : i32
    %dma_wait3A_311 = arith.constant 1 : i32
    %dma_wait3A_312 = arith.constant 1 : i32
    %dma_wait3A_313 = arith.constant 0 : i32
    %dma_wait3A_314 = arith.constant 0 : i32
    %dma_wait3A_315 = tpu.memref_slice %arg8[%dma_wait3A_311, %dma_wait3A_313, %dma_wait3A_314] : memref<4x64x128xf32, #tpu.memory_space<vmem>> -> memref<1x64x128xf32, #tpu.memory_space<vmem>>
    %dma_wait3A_316 = tpu.memref_squeeze %dma_wait3A_315 : memref<1x64x128xf32, #tpu.memory_space<vmem>> -> memref<64x128xf32, #tpu.memory_space<vmem>>
    %dma_wait3A_317 = arith.constant 0 : i32
    %dma_wait3A_318 = tpu.memref_slice %arg6[%dma_wait3A_310, %dma_wait3A_317] : memref<4x64xi32, #tpu.memory_space<vmem>> -> memref<1x64xi32, #tpu.memory_space<vmem>>
    %dma_wait3A_319 = tpu.memref_squeeze %dma_wait3A_318 : memref<1x64xi32, #tpu.memory_space<vmem>> -> memref<64xi32, #tpu.memory_space<vmem>>
    %dma_wait3A_320 = arith.constant 0 : i32
    %dma_wait3A_321 = arith.constant 0 : i32
    %dma_wait3A_322 = tpu.memref_slice %arg3[%dma_wait3A_320, %dma_wait3A_321] : memref<100000x128xf32, #tpu.memory_space<hbm>> -> memref<100000x128xf32, #tpu.memory_space<hbm>>
    %dma_wait3A_323 = tpu.memref_slice %arg12[%dma_wait3A_312] : memref<4x!tpu.dma_semaphore, #tpu.memory_space<semaphore_mem>> -> memref<1x!tpu.dma_semaphore, #tpu.memory_space<semaphore_mem>>
    %dma_wait3A_324 = tpu.memref_squeeze %dma_wait3A_323 : memref<1x!tpu.dma_semaphore, #tpu.memory_space<semaphore_mem>> -> memref<!tpu.dma_semaphore, #tpu.memory_space<semaphore_mem>>
    tpu.wait_indirect_dma semaphore(%dma_wait3A_324 : memref<!tpu.dma_semaphore, #tpu.memory_space<semaphore_mem>>) src(%dma_wait3A_322 : memref<100000x128xf32, #tpu.memory_space<hbm>>) dst(%dma_wait3A_316 : memref<64x128xf32, #tpu.memory_space<vmem>>)
    %dma_wait3A_325 = arith.constant 2 : i32
    %dma_wait3A_326 = arith.constant 2 : i32
    %dma_wait3A_327 = arith.constant 2 : i32
    %dma_wait3A_328 = arith.constant 0 : i32
    %dma_wait3A_329 = arith.constant 0 : i32
    %dma_wait3A_330 = tpu.memref_slice %arg8[%dma_wait3A_326, %dma_wait3A_328, %dma_wait3A_329] : memref<4x64x128xf32, #tpu.memory_space<vmem>> -> memref<1x64x128xf32, #tpu.memory_space<vmem>>
    %dma_wait3A_331 = tpu.memref_squeeze %dma_wait3A_330 : memref<1x64x128xf32, #tpu.memory_space<vmem>> -> memref<64x128xf32, #tpu.memory_space<vmem>>
    %dma_wait3A_332 = arith.constant 0 : i32
    %dma_wait3A_333 = tpu.memref_slice %arg6[%dma_wait3A_325, %dma_wait3A_332] : memref<4x64xi32, #tpu.memory_space<vmem>> -> memref<1x64xi32, #tpu.memory_space<vmem>>
    %dma_wait3A_334 = tpu.memref_squeeze %dma_wait3A_333 : memref<1x64xi32, #tpu.memory_space<vmem>> -> memref<64xi32, #tpu.memory_space<vmem>>
    %dma_wait3A_335 = arith.constant 0 : i32
    %dma_wait3A_336 = arith.constant 0 : i32
    %dma_wait3A_337 = tpu.memref_slice %arg3[%dma_wait3A_335, %dma_wait3A_336] : memref<100000x128xf32, #tpu.memory_space<hbm>> -> memref<100000x128xf32, #tpu.memory_space<hbm>>
    %dma_wait3A_338 = tpu.memref_slice %arg12[%dma_wait3A_327] : memref<4x!tpu.dma_semaphore, #tpu.memory_space<semaphore_mem>> -> memref<1x!tpu.dma_semaphore, #tpu.memory_space<semaphore_mem>>
    %dma_wait3A_339 = tpu.memref_squeeze %dma_wait3A_338 : memref<1x!tpu.dma_semaphore, #tpu.memory_space<semaphore_mem>> -> memref<!tpu.dma_semaphore, #tpu.memory_space<semaphore_mem>>
    tpu.wait_indirect_dma semaphore(%dma_wait3A_339 : memref<!tpu.dma_semaphore, #tpu.memory_space<semaphore_mem>>) src(%dma_wait3A_337 : memref<100000x128xf32, #tpu.memory_space<hbm>>) dst(%dma_wait3A_331 : memref<64x128xf32, #tpu.memory_space<vmem>>)
    %dma_wait3A_340 = arith.constant 3 : i32
    %dma_wait3A_341 = arith.constant 3 : i32
    %dma_wait3A_342 = arith.constant 3 : i32
    %dma_wait3A_343 = arith.constant 0 : i32
    %dma_wait3A_344 = arith.constant 0 : i32
    %dma_wait3A_345 = tpu.memref_slice %arg8[%dma_wait3A_341, %dma_wait3A_343, %dma_wait3A_344] : memref<4x64x128xf32, #tpu.memory_space<vmem>> -> memref<1x64x128xf32, #tpu.memory_space<vmem>>
    %dma_wait3A_346 = tpu.memref_squeeze %dma_wait3A_345 : memref<1x64x128xf32, #tpu.memory_space<vmem>> -> memref<64x128xf32, #tpu.memory_space<vmem>>
    %dma_wait3A_347 = arith.constant 0 : i32
    %dma_wait3A_348 = tpu.memref_slice %arg6[%dma_wait3A_340, %dma_wait3A_347] : memref<4x64xi32, #tpu.memory_space<vmem>> -> memref<1x64xi32, #tpu.memory_space<vmem>>
    %dma_wait3A_349 = tpu.memref_squeeze %dma_wait3A_348 : memref<1x64xi32, #tpu.memory_space<vmem>> -> memref<64xi32, #tpu.memory_space<vmem>>
    %dma_wait3A_350 = arith.constant 0 : i32
    %dma_wait3A_351 = arith.constant 0 : i32
    %dma_wait3A_352 = tpu.memref_slice %arg3[%dma_wait3A_350, %dma_wait3A_351] : memref<100000x128xf32, #tpu.memory_space<hbm>> -> memref<100000x128xf32, #tpu.memory_space<hbm>>
    %dma_wait3A_353 = tpu.memref_slice %arg12[%dma_wait3A_342] : memref<4x!tpu.dma_semaphore, #tpu.memory_space<semaphore_mem>> -> memref<1x!tpu.dma_semaphore, #tpu.memory_space<semaphore_mem>>
    %dma_wait3A_354 = tpu.memref_squeeze %dma_wait3A_353 : memref<1x!tpu.dma_semaphore, #tpu.memory_space<semaphore_mem>> -> memref<!tpu.dma_semaphore, #tpu.memory_space<semaphore_mem>>
    tpu.wait_indirect_dma semaphore(%dma_wait3A_354 : memref<!tpu.dma_semaphore, #tpu.memory_space<semaphore_mem>>) src(%dma_wait3A_352 : memref<100000x128xf32, #tpu.memory_space<hbm>>) dst(%dma_wait3A_346 : memref<64x128xf32, #tpu.memory_space<vmem>>)
    %dma_start3A_355 = arith.constant 0 : i32
    %dma_start3A_356 = arith.constant 0 : i32
    %dma_start3A_357 = arith.constant 0 : i32
    %dma_start3A_358 = tpu.memref_slice %arg5[%dma_start3A_356, %mul3A_2, %dma_start3A_357] : memref<4x2048x128xf32, #tpu.memory_space<hbm>> -> memref<4x64x128xf32, #tpu.memory_space<hbm>>
    %dma_start3A_359 = tpu.memref_slice %arg13[%dma_start3A_355] : memref<4x!tpu.dma_semaphore, #tpu.memory_space<semaphore_mem>> -> memref<1x!tpu.dma_semaphore, #tpu.memory_space<semaphore_mem>>
    %dma_start3A_360 = tpu.memref_squeeze %dma_start3A_359 : memref<1x!tpu.dma_semaphore, #tpu.memory_space<semaphore_mem>> -> memref<!tpu.dma_semaphore, #tpu.memory_space<semaphore_mem>>
    %dma_start3A_361 = arith.constant 0 : i32
    %dma_start3A_362 = arith.constant 0 : i32
    %dma_start3A_363 = tpu.memref_slice %arg5[%dma_start3A_361, %mul3A_2, %dma_start3A_362] : memref<4x2048x128xf32, #tpu.memory_space<hbm>> -> memref<4x64x128xf32, #tpu.memory_space<hbm>>
    tpu.enqueue_dma source(%arg8 : memref<4x64x128xf32, #tpu.memory_space<vmem>>) target(%dma_start3A_363 : memref<4x64x128xf32, #tpu.memory_space<hbm>>) target_semaphore(%dma_start3A_360 : memref<!tpu.dma_semaphore, #tpu.memory_space<semaphore_mem>>)
    %dma_wait3A_364 = arith.constant 0 : i32
    %dma_wait3A_365 = arith.constant 0 : i32
    %dma_wait3A_366 = arith.constant 0 : i32
    %dma_wait3A_367 = tpu.memref_slice %arg5[%dma_wait3A_365, %mul3A_2, %dma_wait3A_366] : memref<4x2048x128xf32, #tpu.memory_space<hbm>> -> memref<4x64x128xf32, #tpu.memory_space<hbm>>
    %dma_wait3A_368 = tpu.memref_slice %arg13[%dma_wait3A_364] : memref<4x!tpu.dma_semaphore, #tpu.memory_space<semaphore_mem>> -> memref<1x!tpu.dma_semaphore, #tpu.memory_space<semaphore_mem>>
    %dma_wait3A_369 = tpu.memref_squeeze %dma_wait3A_368 : memref<1x!tpu.dma_semaphore, #tpu.memory_space<semaphore_mem>> -> memref<!tpu.dma_semaphore, #tpu.memory_space<semaphore_mem>>
    %dma_wait3A_370 = arith.constant 0 : i32
    %dma_wait3A_371 = arith.constant 0 : i32
    %dma_wait3A_372 = tpu.memref_slice %arg5[%dma_wait3A_370, %mul3A_2, %dma_wait3A_371] : memref<4x2048x128xf32, #tpu.memory_space<hbm>> -> memref<4x64x128xf32, #tpu.memory_space<hbm>>
    tpu.wait_dma2 semaphore(%dma_wait3A_369 : memref<!tpu.dma_semaphore, #tpu.memory_space<semaphore_mem>>) src(%arg8 : memref<4x64x128xf32, #tpu.memory_space<vmem>>) dst(%dma_wait3A_372 : memref<4x64x128xf32, #tpu.memory_space<hbm>>)
    return
  }
}

</mosaic_0001>

<sc_bundles>
// kernel: kernel.3.cloned.1.call-start
scs
__scs_entry_jumppad:
0x0: {  	(pc) =	sbr.rel $0x88, $3  }
0x1: {  	(tag) =	ssettag $0x0;
	lr =	simm.s32 $0x1  }
0x2: {  	[smem:$0x3F9E] =	sst lr;
	_ =	strace $0xD0000000  }
0x3: {  	_ = 	snop  }
0x4: {  	_ = 	snop  }
0x5: {  	_ = 	snop  }
0x6: {  	_ = 	snop  }
0x7: {  	_ = 	snop  }
__scs_overlays_trampoline_lowered:
0x8: {  	[smem:$0x3FAD] =	sst s0  }
0x9: {  	[smem:$0x3FAE] =	sst s1  }
0xa: {  	[smem:$0x3FAF] =	sst s2  }
0xb: {  	[smem:$0x3FB0] =	sst s3  }
0xc: {  	[smem:$0x3FB1] =	sst s4  }
0xd: {  	[smem:$0x3FB2] =	sst s5  }
0xe: {  	[smem:$0x3FB3] =	sst s6  }
0xf: {  	[smem:$0x3FB4] =	sst s7  }
0x10: {  	[smem:$0x3FB5] =	sst s8  }
0x11: {  	[smem:$0x3FB6] =	sst s9;
	s0 =	simm.s32 @!p0 $0x0  }
0x12: {  	s1 =	sld [smem:$0x3F9C];
	s0 =	simm.s32 @p0 $0x1  }
0x13: {  	[smem:$0x3FB7] =	sst s0;
	s0 =	simm.s32 @!p1 $0x0  }
0x14: {  	s2 =	sld [smem:$0x3F9B];
	s0 =	simm.s32 @p1 $0x1  }
0x15: {  	[smem:$0x3FB8] =	sst s0;
	s0 =	simm.s32 @!p2 $0x0  }
0x16: {  	s3 =	sld [smem:$0x3FDB];
	s0 =	simm.s32 @p2 $0x1  }
0x17: {  	s4 =	simm.s32 $0x1BF5;
	[smem:$0x3FBA] =	sst s0  }
0x18: {  	s0 =	sld [smem:$0x3F9D];
	_ =	swait.ge [sflag:s4], $0x0  }
0x19: {  	s7 =	sld [smem:$0x3F9E]  }
0x1a: {  	s8 =	sadd.s32 $0xFFFFE003, lr  }
0x1b: {  	s9 =	sadd.s32 $0xFFFFFEF7, lr;
	s5 =	simm.s32 $0xFFFFFFFF;
	p2 =	slt.u32 s8, $0xFFFFF086  }
0x1c: {  	p1 =	slt.u32 s9, $0xF7A;
	s5 =	simm.s32 @!p2 $0x0  }
0x1d: {  	s5 =	simm.s32 @p1 $0x1;
	p0 =	seq.s32 s7, s2  }
0x1e: {  	s7 =	smul.u32 @!p0 $0xF7A, s2;
	p2 =	seq.s32 @!p0 s5, $0x0  }
0x1f: {  	s9 =	smul.u32 $0xF7A, s1;
	s8 =	simm.s32 @!p0 $0x1BF5;
	p2 =	por !p2, p0  }
0x20: {  	[sflag:s8] =	ssyncset.s32 @!p0 $0xFFFFF086;
	s6 =	sadd.s32 @!p0 s3, s7;
	s7 =	simm.s32 @!p0 $0x108  }
0x21: {  	s3 =	sadd.s32 s3, s9;
	s6 =	sadd.s32 @!p0 $0x88, s6;
	s7 =	simm.s32 @p2 $0x1082  }
0x22: {  	[simem:s7], [sflag:s8] =	dma.local @!p0 [hbm:s6], $0xF7A  }
0x23: {  	s9 =	sor.u32 $0xD0000000, s2;
	s6 =	simm.s32 $0x108;
	_ =	swait.ge @!p0 [sflag:s8], $0x0  }
0x24: {  	s3 =	sadd.s32 $0x88, s3;
	s6 =	simm.s32 @!p1 $0x1082;
	[sflag:s4] =	ssyncset.s32 $0xFFFFF086  }
0x25: {  	[simem:s6], [sflag:s4] =	dma.local [hbm:s3], $0xF7A  }
0x26: {  	[smem:$0x3F9E] =	sst s1;
	(tag) =	ssettag s2;
	_ =	strace s9  }
0x27: {  	s1 =	sld [smem:$0x3FAE]  }
0x28: {  	s2 =	sld [smem:$0x3FAF]  }
0x29: {  	s4 =	sld [smem:$0x3FB1]  }
0x2a: {  	p0 =	seq.s32 s5, $0x0;
	s5 =	sld [smem:$0x3FB2]  }
0x2b: {  	s6 =	sld [smem:$0x3FB3]  }
0x2c: {  	s7 =	sld [smem:$0x3FB4]  }
0x2d: {  	s3 =	simm.s32 $0x108;
	s8 =	sld [smem:$0x3FB5]  }
0x2e: {  	s3 =	simm.s32 @!p0 $0x1082;
	s9 =	sld [smem:$0x3FB6]  }
0x2f: {  	lr =	sadd.s32 s0, s3;
	s0 =	sld [smem:$0x3FAD]  }
0x30: {  	s3 =	sld [smem:$0x3FB0]  }
0x31: {  	[smem:$0x3FB9] =	sst s10  }
0x32: {  	s10 =	sld [smem:$0x3FB7];
	_ =	sdelay $0x3  }
0x33: {  	p0 =	seq.s32 s10, $0x1;
	s10 =	sld [smem:$0x3FB9];
	_ =	sdelay $0x3  }
0x34: {  	[smem:$0x3FB9] =	sst s10  }
0x35: {  	s10 =	sld [smem:$0x3FB8];
	_ =	sdelay $0x3  }
0x36: {  	p1 =	seq.s32 s10, $0x1;
	s10 =	sld [smem:$0x3FB9];
	_ =	sdelay $0x3  }
0x37: {  	[smem:$0x3FB9] =	sst s10  }
0x38: {  	s10 =	sld [smem:$0x3FBA]  }
0x39: {  	_ = 	snop;
	(pc) =	sbr.ind lr, $3  }
0x3a: {  	_ = 	snop  }
0x3b: {  	_ = 	snop  }
0x3c: {  	p2 =	seq.s32 s10, $0x1;
	s10 =	sld [smem:$0x3FB9]  }
0x3d: {  	_ =	shalt  }
0x3e: {  	_ =	shalt  }
0x3f: {  	_ =	shalt  }
0x40: {  	_ =	shalt  }
0x41: {  	_ =	shalt  }
0x42: {  	_ =	shalt  }
0x43: {  	_ =	shalt  }
0x44: {  	_ =	shalt  }
0x45: {  	_ =	shalt  }
0x46: {  	_ =	shalt  }
0x47: {  	_ =	shalt  }
0x48: {  	_ =	shalt  }
0x49: {  	_ =	shalt  }
0x4a: {  	_ =	shalt  }
0x4b: {  	_ =	shalt  }
0x4c: {  	_ =	shalt  }
0x4d: {  	_ =	shalt  }
0x4e: {  	_ =	shalt  }
0x4f: {  	_ =	shalt  }
0x50: {  	_ =	shalt  }
0x51: {  	_ =	shalt  }
0x52: {  	_ =	shalt  }
0x53: {  	_ =	shalt  }
0x54: {  	_ =	shalt  }
0x55: {  	_ =	shalt  }
0x56: {  	_ =	shalt  }
0x57: {  	_ =	shalt  }
0x58: {  	_ =	shalt  }
0x59: {  	_ =	shalt  }
0x5a: {  	_ =	shalt  }
0x5b: {  	_ =	shalt  }
0x5c: {  	_ =	shalt  }
0x5d: {  	_ =	shalt  }
0x5e: {  	_ =	shalt  }
0x5f: {  	_ =	shalt  }
0x60: {  	_ =	shalt  }
0x61: {  	_ =	shalt  }
0x62: {  	_ =	shalt  }
0x63: {  	_ =	shalt  }
0x64: {  	_ =	shalt  }
0x65: {  	_ =	shalt  }
0x66: {  	_ =	shalt  }
0x67: {  	_ =	shalt  }
0x68: {  	_ =	shalt  }
0x69: {  	_ =	shalt  }
0x6a: {  	_ =	shalt  }
0x6b: {  	_ =	shalt  }
0x6c: {  	_ =	shalt  }
0x6d: {  	_ =	shalt  }
0x6e: {  	_ =	shalt  }
0x6f: {  	_ =	shalt  }
0x70: {  	_ =	shalt  }
0x71: {  	_ =	shalt  }
0x72: {  	_ =	shalt  }
0x73: {  	_ =	shalt  }
0x74: {  	_ =	shalt  }
0x75: {  	_ =	shalt  }
0x76: {  	_ =	shalt  }
0x77: {  	_ =	shalt  }
0x78: {  	_ =	shalt  }
0x79: {  	_ =	shalt  }
0x7a: {  	_ =	shalt  }
0x7b: {  	_ =	shalt  }
0x7c: {  	_ =	shalt  }
0x7d: {  	_ =	shalt  }
0x7e: {  	_ =	shalt  }
0x7f: {  	_ =	shalt  }
0x80: {  	_ =	shalt  }
0x81: {  	_ =	shalt  }
0x82: {  	_ =	shalt  }
0x83: {  	_ =	shalt  }
0x84: {  	_ =	shalt  }
0x85: {  	_ =	shalt  }
0x86: {  	_ =	shalt  }
0x87: {  	_ =	shalt  }
.Lfunc_end0:
.L_simem_size_0:
called_computation_lowered:
.L_overlay_start_0:
0x88: {  	s2 =	sld [smem:$0x3FD9]  }
0x89: {  	s3 =	sld [smem:$0x3FFE];
	_ =	sdelay $0x1  }
0x8a: {  	s1 =	srdreg.scid  }
0x8b: {  	s0 =	sand.u32 $0x1, s1  }
0x8c: {  	s18 =	sshll.u32 s0, $0xA;
	s2 =	sadd.s32 s3, s2  }
0x8d: {  	s2 =	sadd.s32 s2, s18  }
0x8e: {  	[smem:$0x3FC5] =	sst s2  }
0x8f: {  	_ = 	snop  }
0x90: {  	s2 =	sld [smem:$0x3FC9]  }
0x91: {  	s19 =	sld [smem:$0x3FC8]  }
0x92: {  	s4 =	sld [smem:$0x3FC7]  }
0x93: {  	s5 =	sld [smem:$0x3FD0];
	(tm) =	ssettm $0x1  }
0x94: {  	s6 =	sld [smem:$0x3FFB];
	_ =	sdelay $0x3  }
0x95: {  	_ =	strace s6  }
0x96: {  	s6 =	sld [smem:$0x3FFC];
	_ =	sdelay $0x3  }
0x97: {  	_ =	strace s6  }
0x98: {  	s6 =	sld [smem:$0x3FFD];
	_ =	sdelay $0x3  }
0x99: {  	_ =	strace s6  }
0x9a: {  	_ =	strace $0x8FFFFFFF  }
0x9b: {  	s20 =	sld [smem:$0x3FDB];
	_ =	sdelay $0x1  }
0x9c: {  	s7 =	simm.s32 $_scs_section_size  }
0x9d: {  	s8 =	simm.s32 $_size__tile_overlayer_lowered;
	s9 =	simm.s32 $_tile_overlayer_lowered  }
0x9e: {  	s23 =	simm.s32 $0x1BFF;
	s22 =	sshll.u32 s9, $0x1;
	s6 =	sadd.s32 s7, s20  }
0x9f: {  	s10 =	simm.s32 $0x0;
	s21 =	sshll.u32 s8, $0x1;
	s8 =	sadd.s32 s22, s6  }
0xa0: {  	[timem:s10], [sflag:s23] =	dma.local [hbm:s8], s21  }
0xa1: {  	_ =	swait.ge [sflag:s23], s21  }
0xa2: {  	s7 =	ssub.s32 $0x0, s21;
	[sflag:s23] =	ssyncset.done $0x0  }
0xa3: {  	[sflag:s23] =	ssyncadd.s32 s7;
	_ =	sdelay $0x1  }
0xa4: {  	s24 =	simm.s32 $0x1B8B  }
0xa5: {  	_ =	swait.ge [sflag:s24], $0x1  }
0xa6: {  	[sflag:s24] =	ssyncset.done $0x0  }
0xa7: {  	s25 =	simm.s32 $0x1B8E;
	[sflag:s24] =	ssyncadd.s32 $0xFFFFFFFF  }
0xa8: {  	s26 =	simm.s32 $execute0_lowered;
	[smem:$0x3FD2] =	sst s25  }
0xa9: {  	s7 =	sshll.u32 s26, $0x1;
	_ =	strace $0x80000046;
	[dreg:$0x1] =	wrdreg $0xFFFFFFFF  }
0xaa: {  	s28 =	simm.s32 $_size_execute0_lowered;
	s6 =	sadd.s32 s6, s7;
	[dreg:$0x0] =	wrdreg $0x0  }
0xab: {  	s7 =	sshll.u32 s28, $0x1;
	[dreg:$0x2] =	wrdreg s6  }
0xac: {  	[dreg:$0x3] =	wrdreg s7  }
0xad: {  	[dreg:$0x4] =	wrdreg $0xC0  }
0xae: {  	_ =	task [dreg:s10], $0x5FFFF  }
0xaf: {  	[dreg:$0x1] =	wrdreg $0xFFFFFFFF  }
0xb0: {  	[dreg:$0x0] =	wrdreg $0x60  }
0xb1: {  	[dreg:$0x2] =	wrdreg s2  }
0xb2: {  	[dreg:$0x3] =	wrdreg s19  }
0xb3: {  	[dreg:$0x4] =	wrdreg s4  }
0xb4: {  	[dreg:$0x5] =	wrdreg s5  }
0xb5: {  	[dreg:$0x6] =	wrdreg $0x2000  }
0xb6: {  	[dreg:$0x7] =	wrdreg $0x9  }
0xb7: {  	_ =	task.clear_ibuf [dreg:s10], $0x8FFFF;
	_ =	strace $0x90000046  }
0xb8: {  	s29 =	simm.s32 $0x9;
	_ =	strace $0x80000048  }
0xb9: {  	_ =	swait.ge [sflag:s29], $0x1  }
0xba: {  	[sflag:s29] =	ssyncadd.s32 $0xFFFFFFFF  }
0xbb: {  	_ =	strace $0x90000048  }
0xbc: {  	_ =	sfence  }
0xbd: {  	s30 =	sld [smem:$0x0];
	_ =	sdelay $0x2  }
0xbe: {  	s31 =	sshll.u32 s1, $0xD;
	s1 =	sshrl.u32 s1, $0x2  }
0xbf: {  	s3 =	sand.u32 $0x4000, s31;
	s1 =	sadd.s32 s1, s30  }
0xc0: {  	s0 =	sor.u32 s3, s0;
	s1 =	sshll.u32 s1, $0x11  }
0xc1: {  	s0 =	sor.u32 s1, s0  }
0xc2: {  	s0 =	sadd.s32 $0x8F2B, s0  }
0xc3: {  	[sflag:s0] =	ssyncadd.remote.s32 $0x1  }
0xc4: {  	_ =	sfence.sel $0xFFFF  }
0xc5: {  	[dreg:$0x0] =	wrdreg $0xFFFFFFFF;
	(pc) =	sbr.abs _section_cstart, $3  }
0xc6: {  	[dreg:$0x1] =	wrdreg $0xFFFFFFFF  }
0xc7: {  	_ =	task.clear_ibuf [dreg:s10], $0x2FFFF;
	_ =	strace $0x9FFFFFFF  }
0xc8: {  	(tm) =	ssettm $0x7FFFFFFF  }
0xc9: {  	_ =	shalt  }
tec
execute0_lowered:
.L_overlay_start_1:
0x0: {  	(tag) =	ssettag $0x1  }
0x1: {  	s1 =	srdreg.scid  }
0x2: {  	s5 =	rddreg [dreg:$0x0];
	s0 =	stileid.u32;
	s26 =	sand.u32 $0x1, s1  }
0x3: {  	s6 =	rddreg [dreg:$0x2];
	s2 =	sshll.u32 s0, $0x7;
	s4 =	sshll.u32 s26, $0x6  }
0x4: {  	s9 =	rddreg [dreg:$0x4];
	s12 =	simm.s32 $0x2;
	s7 =	sor.u32 s4, s2  }
0x5: {  	s1 =	rddreg [dreg:$0x1];
	s25 =	sshll.u32 s0, $0xD;
	s8 =	sshll.u32 s7, $0x2  }
0x6: {  	s2 =	rddreg [dreg:$0x3];
	s3 =	sand.u32 $0x1E00, s8;
	s8 =	sor.u32 s4, s8  }
0x7: {  	s10 =	sor.u32 s4, s3;
	s3 =	simm.s32 $0x0;
	s8 =	sshrl.u32 s8, $0x3  }
0x8: {  	s10 =	sshrl.u32 s10, $0x3;
	[smem:$0x7FF] =	sst s3;
	s11 =	sor.u32 $0x20, s8  }
0x9: {  	s8 =	sor.u32 $0x30, s8;
	s4 =	sadd.s32 s5, s10;
	s24 =	sadd.s32 s5, s11  }
0xa: {  	_ =	strace $0x80000047;
	s5 =	sadd.s32 s5, s8;
	[dreg:$0x7] =	wrdreg s24  }
0xb: {  	s0 =	sshll.u32 s0, $0x6;
	s10 =	sadd.s32 $0x10, s4;
	[dreg:$0x8] =	wrdreg s5  }
0xc: {  	[tilespmem:s3], [sflag:$0x1] =	stream.linear.gather [hbm4b:s4+s3], $0x40, $0x38;
	[tilespmem:$0xA200] =	vst v63  }
0xd: {  	s28 =	sshll.u32 s7, $0x4;
	s7 =	simm.s32 $0x80;
	[dreg:$0x6] =	wrdreg s10  }
0xe: {  	s6 =	sadd.s32 s6, s28;
	s8 =	sor.u32 $0x1C02, s0;
	s29 =	rddreg [dreg:$0x6]  }
0xf: {  	[tilespmem:s7], [sflag:$0x1] =	stream.linear.gather [hbm4b:s29+s3], $0x40, $0x38;
	[tilespmem:$0xA200] =	vst v63  }
0x10: {  	s5 =	sadd.s32 s25, s9;
	s9 =	simm.s32 $0x100;
	s10 =	rddreg [dreg:$0x7]  }
0x11: {  	[tilespmem:s9], [sflag:$0x1] =	stream.linear.gather [hbm4b:s10+s3], $0x40, $0x38;
	[tilespmem:$0xA200] =	vst v63  }
0x12: {  	s13 =	rddreg [dreg:$0x8];
	s11 =	sshrl.u32 s5, $0x3;
	s10 =	simm.s32 $0x180  }
0x13: {  	[tilespmem:s10], [sflag:$0x1] =	stream.linear.gather [hbm4b:s13+s3], $0x40, $0x38;
	[tilespmem:$0xA200] =	vst v63  }
0x14: {  	[spmem:s11], [sflag:s8] =	dma.local [hbm:s6], $0x400  }
0x15: {  	_ =	swait.ge [sflag:s12], $0x400  }
0x16: {  	[sflag:s12] =	ssyncset.done $0x0  }
0x17: {  	s13 =	simm.s32 $0x2200;
	[sflag:s12] =	ssyncadd.s32 $0xFFFFFC00  }
0x18: {  	[tilespmem:s13], [sflag:$0x3] =	stream.linear.gather [spmem:s5], $0x2000, $0x38;
	[tilespmem:$0xA200] =	vst v63  }
0x19: {  	s14 =	simm.s32 $0x4200  }
0x1a: {  	[tilespmem:s14], [sflag:$0x4] =	stream.linear.gather [spmem:s5], $0x2000, $0x38;
	[tilespmem:$0xA200] =	vst v63  }
0x1b: {  	s15 =	simm.s32 $0x6200  }
0x1c: {  	[tilespmem:s15], [sflag:$0x5] =	stream.linear.gather [spmem:s5], $0x2000, $0x38;
	[tilespmem:$0xA200] =	vst v63  }
0x1d: {  	s16 =	simm.s32 $0x8200;
	s17 =	simm.s32 $0x1  }
0x1e: {  	[tilespmem:s16], [sflag:$0x6] =	stream.linear.gather [spmem:s5], $0x2000, $0x38;
	[tilespmem:$0xA200] =	vst v63  }
0x1f: {  	_ =	swait.ge [sflag:s17], $0x40  }
0x20: {  	[sflag:s17] =	ssyncset.done $0x0  }
0x21: {  	[sflag:s17] =	ssyncadd.s32 $0xFFFFFFC0  }
0x22: {  	_ =	swait.ge [sflag:s17], $0x40  }
0x23: {  	[sflag:s17] =	ssyncset.done $0x0  }
0x24: {  	[sflag:s17] =	ssyncadd.s32 $0xFFFFFFC0  }
0x25: {  	_ =	swait.ge [sflag:s17], $0x40  }
0x26: {  	[sflag:s17] =	ssyncset.done $0x0  }
0x27: {  	[sflag:s17] =	ssyncadd.s32 $0xFFFFFFC0  }
0x28: {  	_ =	swait.ge [sflag:s17], $0x40  }
0x29: {  	[sflag:s17] =	ssyncset.done $0x0  }
0x2a: {  	s18 =	simm.s32 $0x3;
	[sflag:s17] =	ssyncadd.s32 $0xFFFFFFC0  }
0x2b: {  	_ =	swait.ge [sflag:s18], $0x2000  }
0x2c: {  	[sflag:s18] =	ssyncset.done $0x0  }
0x2d: {  	s19 =	simm.s32 $0x40;
	s20 =	simm.s32 $0x4;
	[sflag:s18] =	ssyncadd.s32 $0xFFFFE000  }
0x2e: {  	[tilespmem:s13], [sflag:$0x7] =	stream.indirect.gather.add.f32 [hbm:s1], $0x80, s3, s19, $0xb8;
	[tilespmem:$0xA200] =	vst v63  }
0x2f: {  	_ =	swait.ge [sflag:s20], $0x2000  }
0x30: {  	[sflag:s20] =	ssyncset.done $0x0  }
0x31: {  	s21 =	simm.s32 $0x5;
	[sflag:s20] =	ssyncadd.s32 $0xFFFFE000  }
0x32: {  	[tilespmem:s14], [sflag:$0x8] =	stream.indirect.gather.add.f32 [hbm:s1], $0x80, s7, s19, $0xb8;
	[tilespmem:$0xA200] =	vst v63  }
0x33: {  	_ =	swait.ge [sflag:s21], $0x2000  }
0x34: {  	[sflag:s21] =	ssyncset.done $0x0  }
0x35: {  	s22 =	simm.s32 $0x6;
	[sflag:s21] =	ssyncadd.s32 $0xFFFFE000  }
0x36: {  	[tilespmem:s15], [sflag:$0x9] =	stream.indirect.gather.add.f32 [hbm:s1], $0x80, s9, s19, $0xb8;
	[tilespmem:$0xA200] =	vst v63  }
0x37: {  	_ =	swait.ge [sflag:s22], $0x2000  }
0x38: {  	[sflag:s22] =	ssyncset.done $0x0  }
0x39: {  	s23 =	simm.s32 $0x7;
	[sflag:s22] =	ssyncadd.s32 $0xFFFFE000  }
0x3a: {  	[tilespmem:s16], [sflag:$0xA] =	stream.indirect.gather.add.f32 [hbm:s1], $0x80, s10, s19, $0xb8;
	[tilespmem:$0xA200] =	vst v63  }
0x3b: {  	_ =	swait.ge [sflag:s23], $0x2000  }
0x3c: {  	[sflag:s23] =	ssyncset.done $0x0  }
0x3d: {  	s24 =	simm.s32 $0x8;
	[sflag:s23] =	ssyncadd.s32 $0xFFFFE000  }
0x3e: {  	_ =	swait.ge [sflag:s24], $0x2000  }
0x3f: {  	[sflag:s24] =	ssyncset.done $0x0  }
0x40: {  	s25 =	simm.s32 $0x9;
	[sflag:s24] =	ssyncadd.s32 $0xFFFFE000  }
0x41: {  	_ =	swait.ge [sflag:s25], $0x2000  }
0x42: {  	[sflag:s25] =	ssyncset.done $0x0  }
0x43: {  	s29 =	ssub.s32 $0x2, s26;
	s26 =	simm.s32 $0xA;
	[sflag:s25] =	ssyncadd.s32 $0xFFFFE000  }
0x44: {  	s28 =	sadd.s32 s2, s28;
	_ =	swait.ge [sflag:s26], $0x2000  }
0x45: {  	s2 =	simm.s32 $0x2000;
	s30 =	sshrl.u32 s29, $0x1;
	[sflag:s26] =	ssyncset.done $0x0  }
0x46: {  	s31 =	ssub.s32 s29, s30;
	s29 =	simm.s32 $0x40000;
	[sflag:s26] =	ssyncadd.s32 $0xFFFFE000  }
0x47: {  	[hbm4b:s28+s2] =	stream.strided.scatter [tilespmem:s13], [sflag:$0xB], $0x8000, s29, s2, $0x38;
	[tilespmem:$0xA200] =	vst v63  }
0x48: {  	s29 =	smax.u32 s31, $0x1  }
0x49: {  	p0 =	sne.s32 s29, $0x1  }
.Ltmp0:
0x4a: {  	_ = 	snop;
	(pc) =	sbr.rel @!p0 .LBB2_2-.Ltmp0, $4  }
0x4b: {  	_ = 	snop  }
0x4c: {  	s31 =	simm.s32 $0xB  }
0x4d: {  	_ =	swait.ge [sflag:s31], $0x8000  }
0x4e: {  	s30 =	simm.s32 $0x40000;
	s2 =	sadd.s32 $0xFFFFFFFF, s29;
	[sflag:s31] =	ssyncset.done $0x0  }
.LBB2_1:
0x4f: {  	[sflag:s31] =	ssyncadd.s32 $0xFFFF8000  }
0x50: {  	[tilespmem:s3], [sflag:$0x1] =	stream.linear.gather [hbm4b:s4+s3], $0x40, $0x38;
	[tilespmem:$0xA200] =	vst v63  }
0x51: {  	s0 =	rddreg [dreg:$0x6]  }
0x52: {  	[tilespmem:s7], [sflag:$0x1] =	stream.linear.gather [hbm4b:s0+s3], $0x40, $0x38;
	[tilespmem:$0xA200] =	vst v63  }
0x53: {  	s29 =	rddreg [dreg:$0x7]  }
0x54: {  	[tilespmem:s9], [sflag:$0x1] =	stream.linear.gather [hbm4b:s29+s3], $0x40, $0x38;
	[tilespmem:$0xA200] =	vst v63  }
0x55: {  	s0 =	rddreg [dreg:$0x8]  }
0x56: {  	[tilespmem:s10], [sflag:$0x1] =	stream.linear.gather [hbm4b:s0+s3], $0x40, $0x38;
	[tilespmem:$0xA200] =	vst v63  }
0x57: {  	[spmem:s11], [sflag:s8] =	dma.local [hbm:s6], $0x400  }
0x58: {  	_ =	swait.ge [sflag:s12], $0x400  }
0x59: {  	[sflag:s12] =	ssyncset.done $0x0  }
0x5a: {  	[sflag:s12] =	ssyncadd.s32 $0xFFFFFC00  }
0x5b: {  	[tilespmem:s13], [sflag:$0x3] =	stream.linear.gather [spmem:s5], $0x2000, $0x38;
	[tilespmem:$0xA200] =	vst v63  }
0x5c: {  	_ = 	snop  }
0x5d: {  	[tilespmem:s14], [sflag:$0x4] =	stream.linear.gather [spmem:s5], $0x2000, $0x38;
	[tilespmem:$0xA200] =	vst v63  }
0x5e: {  	_ = 	snop  }
0x5f: {  	[tilespmem:s15], [sflag:$0x5] =	stream.linear.gather [spmem:s5], $0x2000, $0x38;
	[tilespmem:$0xA200] =	vst v63  }
0x60: {  	_ = 	snop  }
0x61: {  	[tilespmem:s16], [sflag:$0x6] =	stream.linear.gather [spmem:s5], $0x2000, $0x38;
	[tilespmem:$0xA200] =	vst v63  }
0x62: {  	_ =	swait.ge [sflag:s17], $0x40  }
0x63: {  	[sflag:s17] =	ssyncset.done $0x0  }
0x64: {  	[sflag:s17] =	ssyncadd.s32 $0xFFFFFFC0  }
0x65: {  	_ =	swait.ge [sflag:s17], $0x40  }
0x66: {  	[sflag:s17] =	ssyncset.done $0x0  }
0x67: {  	[sflag:s17] =	ssyncadd.s32 $0xFFFFFFC0  }
0x68: {  	_ =	swait.ge [sflag:s17], $0x40  }
0x69: {  	[sflag:s17] =	ssyncset.done $0x0  }
0x6a: {  	[sflag:s17] =	ssyncadd.s32 $0xFFFFFFC0  }
0x6b: {  	_ =	swait.ge [sflag:s17], $0x40  }
0x6c: {  	[sflag:s17] =	ssyncset.done $0x0  }
0x6d: {  	[sflag:s17] =	ssyncadd.s32 $0xFFFFFFC0  }
0x6e: {  	_ =	swait.ge [sflag:s18], $0x2000  }
0x6f: {  	[sflag:s18] =	ssyncset.done $0x0  }
0x70: {  	[sflag:s18] =	ssyncadd.s32 $0xFFFFE000  }
0x71: {  	[tilespmem:s13], [sflag:$0x7] =	stream.indirect.gather.add.f32 [hbm:s1], $0x80, s3, s19, $0xb8;
	[tilespmem:$0xA200] =	vst v63  }
0x72: {  	_ =	swait.ge [sflag:s20], $0x2000  }
0x73: {  	[sflag:s20] =	ssyncset.done $0x0  }
0x74: {  	[sflag:s20] =	ssyncadd.s32 $0xFFFFE000  }
0x75: {  	[tilespmem:s14], [sflag:$0x8] =	stream.indirect.gather.add.f32 [hbm:s1], $0x80, s7, s19, $0xb8;
	[tilespmem:$0xA200] =	vst v63  }
0x76: {  	_ =	swait.ge [sflag:s21], $0x2000  }
0x77: {  	[sflag:s21] =	ssyncset.done $0x0  }
0x78: {  	[sflag:s21] =	ssyncadd.s32 $0xFFFFE000  }
0x79: {  	[tilespmem:s15], [sflag:$0x9] =	stream.indirect.gather.add.f32 [hbm:s1], $0x80, s9, s19, $0xb8;
	[tilespmem:$0xA200] =	vst v63  }
0x7a: {  	_ =	swait.ge [sflag:s22], $0x2000  }
0x7b: {  	[sflag:s22] =	ssyncset.done $0x0  }
0x7c: {  	[sflag:s22] =	ssyncadd.s32 $0xFFFFE000  }
0x7d: {  	[tilespmem:s16], [sflag:$0xA] =	stream.indirect.gather.add.f32 [hbm:s1], $0x80, s10, s19, $0xb8;
	[tilespmem:$0xA200] =	vst v63  }
0x7e: {  	_ =	swait.ge [sflag:s23], $0x2000  }
0x7f: {  	[sflag:s23] =	ssyncset.done $0x0  }
0x80: {  	[sflag:s23] =	ssyncadd.s32 $0xFFFFE000  }
0x81: {  	_ =	swait.ge [sflag:s24], $0x2000  }
0x82: {  	[sflag:s24] =	ssyncset.done $0x0  }
0x83: {  	[sflag:s24] =	ssyncadd.s32 $0xFFFFE000  }
0x84: {  	_ =	swait.ge [sflag:s25], $0x2000  }
0x85: {  	[sflag:s25] =	ssyncset.done $0x0  }
0x86: {  	[sflag:s25] =	ssyncadd.s32 $0xFFFFE000  }
0x87: {  	p0 =	sne.s32 s2, $0x1;
	_ =	swait.ge [sflag:s26], $0x2000  }
.Ltmp1:
0x88: {  	[sflag:s26] =	ssyncset.done $0x0;
	(pc) =	sbr.rel @p0 .LBB2_1-.Ltmp1, $4  }
0x89: {  	s29 =	simm.s32 $0x2000;
	[sflag:s26] =	ssyncadd.s32 $0xFFFFE000  }
0x8a: {  	[hbm4b:s28+s29] =	stream.strided.scatter [tilespmem:s13], [sflag:$0xB], $0x8000, s30, s29, $0x38;
	[tilespmem:$0xA200] =	vst v63  }
0x8b: {  	_ =	swait.ge [sflag:s31], $0x8000  }
0x8c: {  	s2 =	sadd.s32 $0xFFFFFFFF, s2;
	[sflag:s31] =	ssyncset.done $0x0  }
.LBB2_2:
0x8d: {  	[sflag:s31] =	ssyncadd.s32 $0xFFFF8000  }
0x8e: {  	_ =	sfence.sel $0x180000  }
0x8f: {  	[bflag:$0x0] =	sbarrier.arrive $0xFFFF  }
0x90: {  	_ =	strace $0x90000047  }
0x91: {  	s0 =	stileid.u32;
	[bflag:$0x2] =	sbarrier.arrive $0xFFFF  }
0x92: {  	p0 =	sne.s32 s0, $0x0;
	s0 =	rddreg [dreg:$0x5]  }
0x93: {  	s0 =	sadd.s32 @!p0 $0x100000, s0  }
0x94: {  	[sflag:s0] =	ssyncadd.tile.s32 @!p0 $0x1;
	_ =	shalt  }
.Lfunc_end2:
_tile_overlayer_lowered:
.L_overlay_start_2:
0x95: {  	(tag) =	ssettag $0x2  }
0x96: {  	s0 =	rddreg [dreg:$0x0];
	s2 =	stileid.u32  }
0x97: {  	s1 =	rddreg [dreg:$0x1];
	p0 =	sne.s32 s2, $0x0  }
0x98: {  	s3 =	rddreg [dreg:$0x2];
	[bflag:$0x3] =	sbarrier.arrive $0xFFFF;
	s2 =	simm.s32 @!p0 $0x1C0F  }
0x99: {  	[timem:s3], [sflag:s2] =	dma.local @!p0 [hbm:s0], s1  }
0x9a: {  	s0 =	simm.s32 @!p0 $0xF  }
0x9b: {  	_ =	swait.ge @!p0 [sflag:s0], s1  }
0x9c: {  	s1 =	ssub.s32 @!p0 $0x0, s1;
	[sflag:s0] =	ssyncset.done @!p0 $0x0  }
0x9d: {  	[sflag:s0] =	ssyncadd.s32 @!p0 s1  }
0x9e: {  	[bflag:$0x3] =	sbarrier.arrive $0xFFFF  }
0x9f: {  	_ =	shalt  }

</sc_bundles>
